<compile_context>
chip_gen: v7x
topology: tpu7x:2x2x1
jax: 0.10.2.dev20260603
libtpu: 0.0.44.dev20260713+nightly
codegen_flags: <defaults>
</compile_context>

<pallas_src>
import functools

import jax
import jax.numpy as jnp
from jax import lax
from jax.experimental import pallas as pl
from jax.experimental.pallas import tpu as pltpu

_CNF = 0.5
_IOU = 0.5
_N = 5000
_B = 512
_NB = 10
_NPAD = _B * _NB


def _corners_tall(blk):
    cx, cy, w, h = blk[:, 0:1], blk[:, 1:2], blk[:, 2:3], blk[:, 3:4]
    x1, y1 = cx - w / 2.0, cy - h / 2.0
    x2, y2 = cx + w / 2.0, cy + h / 2.0
    return x1, y1, x2, y2, (x2 - x1) * (y2 - y1)


def _corners_wide(blk):
    cx, cy, w, h = blk[0:1, :], blk[1:2, :], blk[2:3, :], blk[3:4, :]
    x1, y1 = cx - w / 2.0, cy - h / 2.0
    x2, y2 = cx + w / 2.0, cy + h / 2.0
    return x1, y1, x2, y2, (x2 - x1) * (y2 - y1)


def _overlap(tall, wide):
    tx1, ty1, tx2, ty2, ta = tall
    wx1, wy1, wx2, wy2, wa = wide
    ix = jnp.maximum(0.0, jnp.minimum(tx2, wx2) - jnp.maximum(tx1, wx1))
    iy = jnp.maximum(0.0, jnp.minimum(ty2, wy2) - jnp.maximum(ty1, wy1))
    inter = ix * iy
    union = ta + wa - inter
    return jnp.where(inter > _IOU * (union + 1e-9), 1.0, 0.0)


def _nms_body(bt_ref, bw_ref, sw_ref, out_ref, keep_ref):
    keep_ref[...] = jnp.zeros((_NB, 1, _B), jnp.float32)

    count = jnp.sum((sw_ref[...] > _CNF).astype(jnp.int32))
    nb = (count + (_B - 1)) // _B

    row_lt_col = (
        lax.broadcasted_iota(jnp.int32, (_B, _B), 0)
        < lax.broadcasted_iota(jnp.int32, (_B, _B), 1)
    ).astype(jnp.float32)

    def outer(j, _):
        wide_j = _corners_wide(bw_ref[j])
        valid_j = (sw_ref[j] > _CNF).astype(jnp.float32)

        def cross(i, sup):
            o = _overlap(_corners_tall(bt_ref[i]), wide_j)
            return sup + jnp.dot(keep_ref[i], o,
                                 preferred_element_type=jnp.float32)

        sup = lax.fori_loop(0, j, cross, jnp.zeros((1, _B), jnp.float32))
        m0 = jnp.where(sup > 0.0, 0.0, valid_j)

        o_jj = _overlap(_corners_tall(bt_ref[j]), wide_j) * row_lt_col

        def cond(c):
            return c[1]

        def body(c):
            k, _ = c
            s = jnp.dot(k, o_jj, preferred_element_type=jnp.float32)
            k2 = jnp.where(s > 0.0, 0.0, m0)
            return k2, jnp.any(k2 != k)

        k_fix, _ = lax.while_loop(cond, body, (m0, True))
        keep_ref[j] = k_fix
        return 0

    lax.fori_loop(0, nb, outer, 0)

    for j in range(_NB):
        x1, y1, x2, y2, _ = _corners_wide(bw_ref[j])
        row = jnp.concatenate([x1, y1, x2, y2, sw_ref[j]], axis=0)
        out_ref[j] = row * keep_ref[j]


@jax.jit
def kernel(boxes, scores):
    order = jnp.argsort(-scores)
    sb = boxes[order]
    ss = scores[order]

    sb = jnp.concatenate(
        [sb, jnp.zeros((_NPAD - _N, 4), jnp.float32)], axis=0)
    ss = jnp.concatenate(
        [ss, jnp.full((_NPAD - _N,), -1.0, jnp.float32)], axis=0)

    bt = sb.reshape(_NB, _B, 4)
    bw = jnp.transpose(bt, (0, 2, 1))
    sw = ss.reshape(_NB, 1, _B)

    ow = pl.pallas_call(
        _nms_body,
        out_shape=jax.ShapeDtypeStruct((_NB, 5, _B), jnp.float32),
        scratch_shapes=[pltpu.VMEM((_NB, 1, _B), jnp.float32)],
    )(bt, bw, sw)

    out = jnp.transpose(ow, (1, 0, 2)).reshape(5, _NPAD)[:, :_N]
    return out.T

# --- scband reference (transcript-rebuilt; emitter-appended) ---
"""Pipeline reference for scband-yolo3-62947040690195 (READ-ONLY COPY).

The authoritative reference and input builder live on the scoring server;
editing this copy changes nothing except your own understanding.
"""

import jax, jax.numpy as jnp
import numpy as np

CNF_THRES = 0.5
IOU_THRES = 0.5


def pairwise_iou(a, b):
    # a: [N,4], b: [M,4] in (x1,y1,x2,y2)
    lt = jnp.maximum(a[:, None, :2], b[None, :, :2])
    rb = jnp.minimum(a[:, None, 2:], b[None, :, 2:])
    wh = jnp.clip(rb - lt, 0.0, None)
    inter = wh[..., 0] * wh[..., 1]
    area_a = (a[:, 2] - a[:, 0]) * (a[:, 3] - a[:, 1])
    area_b = (b[:, 2] - b[:, 0]) * (b[:, 3] - b[:, 1])
    union = area_a[:, None] + area_b[None, :] - inter
    return inter / (union + 1e-9)


def setup_inputs(seed: int = 0) -> dict:
    key = jax.random.key(seed)
    k1, k2, k3 = jax.random.split(key, 3)
    N = 5000
    # boxes in (cx, cy, w, h) format, matching the raw yolo head output layout
    cxcy = jax.random.uniform(k1, (N, 2), dtype=jnp.float32) * 32.0
    wh = jax.random.uniform(k2, (N, 2), dtype=jnp.float32) * 4.0 + 0.5
    boxes = jnp.concatenate([cxcy, wh], axis=1)
    scores = jax.random.uniform(k3, (N,), dtype=jnp.float32)
    return {"boxes": boxes, "scores": scores}


def reference(boxes, scores):
    # Faithful jax translation of the NMS core of transform_yolo_output:
    # 1) center-format -> corner-format box conversion
    # 2) confidence thresholding (sigmoid-confidence > cnf_thres)
    # 3) sort by confidence, pairwise IoU, greedy suppression with iou_thres
    x1 = boxes[:, 0] - boxes[:, 2] / 2.0
    y1 = boxes[:, 1] - boxes[:, 3] / 2.0
    x2 = boxes[:, 0] + boxes[:, 2] / 2.0
    y2 = boxes[:, 1] + boxes[:, 3] / 2.0
    corners = jnp.stack([x1, y1, x2, y2], axis=1)

    order = jnp.argsort(-scores)
    b = corners[order]
    s = scores[order]

    iou = pairwise_iou(b, b)
    valid = s > CNF_THRES
    N = b.shape[0]
    idx = jnp.arange(N)

    def body(i, keep):
        suppress = (iou[i] > IOU_THRES) & (idx > i) & keep[i]
        return keep & (~suppress)

    keep = jax.lax.fori_loop(0, N, body, valid)
    keep_f = keep.astype(b.dtype)
    # fixed-shape output: suppressed rows zeroed out; columns = [x1,y1,x2,y2,score]
    out = jnp.concatenate([b * keep_f[:, None], (s * keep_f)[:, None]], axis=1)
    return out

if __name__ == "__main__":
    import jax
    _d = setup_inputs()
    print(jax.jit(kernel)(*tuple(_d.values())))

</pallas_src>

<mosaic_0001>
module attributes {stable_mosaic.version = 14 : i64} {
  func.func @_nms_body(%arg0: memref<10x512x4xf32, #tpu.memory_space<vmem>>, %arg1: memref<10x4x512xf32, #tpu.memory_space<vmem>>, %arg2: memref<10x1x512xf32, #tpu.memory_space<vmem>>, %arg3: memref<10x5x512xf32, #tpu.memory_space<vmem>>, %arg4: memref<10x1x512xf32, #tpu.memory_space<vmem>>) attributes {dimension_semantics = [], scalar_prefetch = 0 : i64, scratch_operands = 1 : i64, tpu.core_type = #tpu.core_type<tc>} {
    %broadcast_in_dim3A = arith.constant 0.000000e+00 : f32
    %broadcast_in_dim3A_0 = vector.broadcast %broadcast_in_dim3A : f32 to vector<10x1x512xf32>
    %swap3A = arith.constant 0 : index
    %swap3A_1 = arith.constant 0 : index
    %swap3A_2 = arith.constant 0 : index
    %swap3A_3 = vector.load %arg4[%swap3A, %swap3A_1, %swap3A_2] : memref<10x1x512xf32, #tpu.memory_space<vmem>>, vector<10x1x512xf32>
    tpu.vector_store %arg4[%swap3A, %swap3A_1, %swap3A_2], %broadcast_in_dim3A_0 {strides = array<i32>} : memref<10x1x512xf32, #tpu.memory_space<vmem>>, vector<10x1x512xf32>,
    %get3A = arith.constant 0 : index
    %get3A_4 = arith.constant 0 : index
    %get3A_5 = arith.constant 0 : index
    %get3A_6 = vector.load %arg2[%get3A, %get3A_4, %get3A_5] : memref<10x1x512xf32, #tpu.memory_space<vmem>>, vector<10x1x512xf32>
    %gt3A = arith.constant 5.000000e-01 : f32
    %gt3A_7 = vector.broadcast %gt3A : f32 to vector<10x1x512xf32>
    %gt3A_8 = arith.cmpf ogt, %get3A_6, %gt3A_7 : vector<10x1x512xf32>
    %convert_element_type3A = arith.extui %gt3A_8 : vector<10x1x512xi1> to vector<10x1x512xi32>
    %reduce_sum3A = vector.shape_cast %convert_element_type3A : vector<10x1x512xi32> to vector<1x10x1x512xi32>
    %reduce_sum3A_9 = arith.constant dense<0> : vector<1xi32>
    %reduce_sum3A_10 = vector.multi_reduction <add>, %reduce_sum3A, %reduce_sum3A_9 [1, 2, 3] : vector<1x10x1x512xi32> to vector<1xi32>
    %reduce_sum3A_11 = vector.shape_cast %reduce_sum3A_10 : vector<1xi32> to vector<1x1x1x1xi32>
    %reduce_sum3A_12 = vector.extract %reduce_sum3A_11[0, 0, 0, 0] : i32 from vector<1x1x1x1xi32>
    %add3A = arith.constant 511 : i32
    %add3A_13 = arith.addi %reduce_sum3A_12, %add3A : i32
    %jit3A = arith.constant 512 : i32
    %div3A = arith.divsi %add3A_13, %jit3A : i32
    %sign3A = arith.constant 0 : i32
    %sign3A_14 = arith.cmpi sgt, %add3A_13, %sign3A : i32
    %sign3A_15 = arith.extui %sign3A_14 : i1 to i32
    %sign3A_16 = arith.constant 0 : i32
    %sign3A_17 = arith.cmpi slt, %add3A_13, %sign3A_16 : i32
    %sign3A_18 = arith.extui %sign3A_17 : i1 to i32
    %sign3A_19 = arith.subi %sign3A_15, %sign3A_18 : i32
    %sign3A_20 = arith.constant 0 : i32
    %sign3A_21 = arith.cmpi sgt, %jit3A, %sign3A_20 : i32
    %sign3A_22 = arith.extui %sign3A_21 : i1 to i32
    %sign3A_23 = arith.constant 0 : i32
    %sign3A_24 = arith.cmpi slt, %jit3A, %sign3A_23 : i32
    %sign3A_25 = arith.extui %sign3A_24 : i1 to i32
    %sign3A_26 = arith.subi %sign3A_22, %sign3A_25 : i32
    %ne3A = arith.cmpi ne, %sign3A_19, %sign3A_26 : i32
    %rem3A = arith.remsi %add3A_13, %jit3A : i32
    %ne3A_27 = arith.constant 0 : i32
    %ne3A_28 = arith.cmpi ne, %rem3A, %ne3A_27 : i32
    %and3A = arith.andi %ne3A, %ne3A_28 : i1
    %sub3A = arith.constant 1 : i32
    %sub3A_29 = arith.subi %div3A, %sub3A : i32
    %select_n3A = arith.select %and3A, %sub3A_29, %div3A : i32
    %iota3A = tpu.iota {dimensions = array<i32: 0>} : vector<512x512xi32>
    %iota3A_30 = tpu.iota {dimensions = array<i32: 1>} : vector<512x512xi32>
    %lt3A = arith.cmpi slt, %iota3A, %iota3A_30 : vector<512x512xi32>
    %convert_element_type3A_31 = arith.extui %lt3A : vector<512x512xi1> to vector<512x512xi32>
    %convert_element_type3A_32 = arith.sitofp %convert_element_type3A_31 : vector<512x512xi32> to vector<512x512xf32>
    %while3A = arith.constant 0 : i32
    %while3A_33 = arith.constant 0 : i32
    %while3A_34 = arith.subi %select_n3A, %while3A : i32
    %while3A_35 = arith.addi %while3A, %while3A_34 : i32
    %while3A_36 = arith.constant 1 : i32
    %while3A_37 = arith.divsi %while3A_34, %while3A_36 : i32
    %while3A_38 = arith.muli %while3A_37, %while3A_36 : i32
    %while3A_39 = arith.addi %while3A, %while3A_38 : i32
    %while3A_40 = arith.constant 1 : i32
    %while3A_41 = scf.for %while3A_481 = %while3A to %while3A_39 step %while3A_40 iter_args(%while3A_482 = %while3A_33) -> (i32)  : i32 {
      %get3A_483 = arith.index_cast %while3A_481 : i32 to index
      %get3A_484 = arith.constant 0 : index
      %get3A_485 = arith.constant 0 : index
      %get3A_486 = vector.load %arg1[%get3A_483, %get3A_484, %get3A_485] : memref<10x4x512xf32, #tpu.memory_space<vmem>>, vector<1x4x512xf32>
      %get3A_487 = vector.shape_cast %get3A_486 : vector<1x4x512xf32> to vector<4x512xf32>
      %slice3A_488 = vector.extract_strided_slice %get3A_487 {offsets = [0, 0], sizes = [1, 512], strides = [1, 1]} : vector<4x512xf32> to vector<1x512xf32>
      %slice3A_489 = vector.extract_strided_slice %get3A_487 {offsets = [1, 0], sizes = [1, 512], strides = [1, 1]} : vector<4x512xf32> to vector<1x512xf32>
      %slice3A_490 = vector.extract_strided_slice %get3A_487 {offsets = [2, 0], sizes = [1, 512], strides = [1, 1]} : vector<4x512xf32> to vector<1x512xf32>
      %slice3A_491 = vector.extract_strided_slice %get3A_487 {offsets = [3, 0], sizes = [1, 512], strides = [1, 1]} : vector<4x512xf32> to vector<1x512xf32>
      %div3A_492 = arith.constant 2.000000e+00 : f32
      %div3A_493 = vector.broadcast %div3A_492 : f32 to vector<1x512xf32>
      %div3A_494 = arith.divf %slice3A_490, %div3A_493 : vector<1x512xf32>
      %sub3A_495 = arith.subf %slice3A_488, %div3A_494 : vector<1x512xf32>
      %div3A_496 = arith.constant 2.000000e+00 : f32
      %div3A_497 = vector.broadcast %div3A_496 : f32 to vector<1x512xf32>
      %div3A_498 = arith.divf %slice3A_491, %div3A_497 : vector<1x512xf32>
      %sub3A_499 = arith.subf %slice3A_489, %div3A_498 : vector<1x512xf32>
      %div3A_500 = arith.constant 2.000000e+00 : f32
      %div3A_501 = vector.broadcast %div3A_500 : f32 to vector<1x512xf32>
      %div3A_502 = arith.divf %slice3A_490, %div3A_501 : vector<1x512xf32>
      %add3A_503 = arith.addf %slice3A_488, %div3A_502 : vector<1x512xf32>
      %div3A_504 = arith.constant 2.000000e+00 : f32
      %div3A_505 = vector.broadcast %div3A_504 : f32 to vector<1x512xf32>
      %div3A_506 = arith.divf %slice3A_491, %div3A_505 : vector<1x512xf32>
      %add3A_507 = arith.addf %slice3A_489, %div3A_506 : vector<1x512xf32>
      %sub3A_508 = arith.subf %add3A_503, %sub3A_495 : vector<1x512xf32>
      %sub3A_509 = arith.subf %add3A_507, %sub3A_499 : vector<1x512xf32>
      %mul3A_510 = arith.mulf %sub3A_508, %sub3A_509 : vector<1x512xf32>
      %get3A_511 = arith.index_cast %while3A_481 : i32 to index
      %get3A_512 = arith.constant 0 : index
      %get3A_513 = arith.constant 0 : index
      %get3A_514 = vector.load %arg2[%get3A_511, %get3A_512, %get3A_513] : memref<10x1x512xf32, #tpu.memory_space<vmem>>, vector<1x1x512xf32>
      %get3A_515 = vector.shape_cast %get3A_514 : vector<1x1x512xf32> to vector<1x512xf32>
      %gt3A_516 = arith.constant 5.000000e-01 : f32
      %gt3A_517 = vector.broadcast %gt3A_516 : f32 to vector<1x512xf32>
      %gt3A_518 = arith.cmpf ogt, %get3A_515, %gt3A_517 : vector<1x512xf32>
      %convert_element_type3A_519 = arith.extui %gt3A_518 : vector<1x512xi1> to vector<1x512xi32>
      %convert_element_type3A_520 = arith.sitofp %convert_element_type3A_519 : vector<1x512xi32> to vector<1x512xf32>
      %broadcast_in_dim3A_521 = arith.constant 0.000000e+00 : f32
      %broadcast_in_dim3A_522 = vector.broadcast %broadcast_in_dim3A_521 : f32 to vector<1x512xf32>
      %while3A_523 = arith.constant 0 : i32
      %while3A_524 = arith.subi %while3A_481, %while3A_523 : i32
      %while3A_525 = arith.addi %while3A_523, %while3A_524 : i32
      %while3A_526 = arith.constant 1 : i32
      %while3A_527 = arith.divsi %while3A_524, %while3A_526 : i32
      %while3A_528 = arith.muli %while3A_527, %while3A_526 : i32
      %while3A_529 = arith.addi %while3A_523, %while3A_528 : i32
      %while3A_530 = arith.constant 1 : i32
      %while3A_531 = scf.for %while3A_613 = %while3A_523 to %while3A_529 step %while3A_530 iter_args(%while3A_614 = %broadcast_in_dim3A_522) -> (vector<1x512xf32>)  : i32 {
        %get3A_615 = arith.index_cast %while3A_613 : i32 to index
        %get3A_616 = arith.constant 0 : index
        %get3A_617 = arith.constant 0 : index
        %get3A_618 = vector.load %arg0[%get3A_615, %get3A_616, %get3A_617] : memref<10x512x4xf32, #tpu.memory_space<vmem>>, vector<1x512x4xf32>
        %get3A_619 = vector.shape_cast %get3A_618 : vector<1x512x4xf32> to vector<512x4xf32>
        %slice3A_620 = vector.extract_strided_slice %get3A_619 {offsets = [0, 0], sizes = [512, 1], strides = [1, 1]} : vector<512x4xf32> to vector<512x1xf32>
        %slice3A_621 = vector.extract_strided_slice %get3A_619 {offsets = [0, 1], sizes = [512, 1], strides = [1, 1]} : vector<512x4xf32> to vector<512x1xf32>
        %slice3A_622 = vector.extract_strided_slice %get3A_619 {offsets = [0, 2], sizes = [512, 1], strides = [1, 1]} : vector<512x4xf32> to vector<512x1xf32>
        %slice3A_623 = vector.extract_strided_slice %get3A_619 {offsets = [0, 3], sizes = [512, 1], strides = [1, 1]} : vector<512x4xf32> to vector<512x1xf32>
        %div3A_624 = arith.constant 2.000000e+00 : f32
        %div3A_625 = vector.broadcast %div3A_624 : f32 to vector<512x1xf32>
        %div3A_626 = arith.divf %slice3A_622, %div3A_625 : vector<512x1xf32>
        %sub3A_627 = arith.subf %slice3A_620, %div3A_626 : vector<512x1xf32>
        %div3A_628 = arith.constant 2.000000e+00 : f32
        %div3A_629 = vector.broadcast %div3A_628 : f32 to vector<512x1xf32>
        %div3A_630 = arith.divf %slice3A_623, %div3A_629 : vector<512x1xf32>
        %sub3A_631 = arith.subf %slice3A_621, %div3A_630 : vector<512x1xf32>
        %div3A_632 = arith.constant 2.000000e+00 : f32
        %div3A_633 = vector.broadcast %div3A_632 : f32 to vector<512x1xf32>
        %div3A_634 = arith.divf %slice3A_622, %div3A_633 : vector<512x1xf32>
        %add3A_635 = arith.addf %slice3A_620, %div3A_634 : vector<512x1xf32>
        %div3A_636 = arith.constant 2.000000e+00 : f32
        %div3A_637 = vector.broadcast %div3A_636 : f32 to vector<512x1xf32>
        %div3A_638 = arith.divf %slice3A_623, %div3A_637 : vector<512x1xf32>
        %add3A_639 = arith.addf %slice3A_621, %div3A_638 : vector<512x1xf32>
        %sub3A_640 = arith.subf %add3A_635, %sub3A_627 : vector<512x1xf32>
        %sub3A_641 = arith.subf %add3A_639, %sub3A_631 : vector<512x1xf32>
        %mul3A_642 = arith.mulf %sub3A_640, %sub3A_641 : vector<512x1xf32>
        %min3A_643 = vector.broadcast %add3A_635 : vector<512x1xf32> to vector<512x512xf32>
        %min3A_644 = vector.broadcast %add3A_503 : vector<1x512xf32> to vector<512x512xf32>
        %min3A_645 = arith.minimumf %min3A_643, %min3A_644 : vector<512x512xf32>
        %max3A_646 = vector.broadcast %sub3A_627 : vector<512x1xf32> to vector<512x512xf32>
        %max3A_647 = vector.broadcast %sub3A_495 : vector<1x512xf32> to vector<512x512xf32>
        %max3A_648 = arith.maximumf %max3A_646, %max3A_647 : vector<512x512xf32>
        %sub3A_649 = arith.subf %min3A_645, %max3A_648 : vector<512x512xf32>
        %max3A_650 = arith.constant 0.000000e+00 : f32
        %max3A_651 = vector.broadcast %max3A_650 : f32 to vector<512x512xf32>
        %max3A_652 = arith.maximumf %max3A_651, %sub3A_649 : vector<512x512xf32>
        %min3A_653 = vector.broadcast %add3A_639 : vector<512x1xf32> to vector<512x512xf32>
        %min3A_654 = vector.broadcast %add3A_507 : vector<1x512xf32> to vector<512x512xf32>
        %min3A_655 = arith.minimumf %min3A_653, %min3A_654 : vector<512x512xf32>
        %max3A_656 = vector.broadcast %sub3A_631 : vector<512x1xf32> to vector<512x512xf32>
        %max3A_657 = vector.broadcast %sub3A_499 : vector<1x512xf32> to vector<512x512xf32>
        %max3A_658 = arith.maximumf %max3A_656, %max3A_657 : vector<512x512xf32>
        %sub3A_659 = arith.subf %min3A_655, %max3A_658 : vector<512x512xf32>
        %max3A_660 = arith.constant 0.000000e+00 : f32
        %max3A_661 = vector.broadcast %max3A_660 : f32 to vector<512x512xf32>
        %max3A_662 = arith.maximumf %max3A_661, %sub3A_659 : vector<512x512xf32>
        %mul3A_663 = arith.mulf %max3A_652, %max3A_662 : vector<512x512xf32>
        %add3A_664 = vector.broadcast %mul3A_642 : vector<512x1xf32> to vector<512x512xf32>
        %add3A_665 = vector.broadcast %mul3A_510 : vector<1x512xf32> to vector<512x512xf32>
        %add3A_666 = arith.addf %add3A_664, %add3A_665 : vector<512x512xf32>
        %sub3A_667 = arith.subf %add3A_666, %mul3A_663 : vector<512x512xf32>
        %add3A_668 = arith.constant 9.99999971E-10 : f32
        %add3A_669 = vector.broadcast %add3A_668 : f32 to vector<512x512xf32>
        %add3A_670 = arith.addf %sub3A_667, %add3A_669 : vector<512x512xf32>
        %mul3A_671 = arith.constant 5.000000e-01 : f32
        %mul3A_672 = vector.broadcast %mul3A_671 : f32 to vector<512x512xf32>
        %mul3A_673 = arith.mulf %mul3A_672, %add3A_670 : vector<512x512xf32>
        %gt3A_674 = arith.cmpf ogt, %mul3A_663, %mul3A_673 : vector<512x512xf32>
        %jit3A_675 = arith.constant 1.000000e+00 : f32
        %jit3A_676 = arith.constant 0.000000e+00 : f32
        %broadcast_in_dim3A_677 = vector.broadcast %jit3A_675 : f32 to vector<512x512xf32>
        %broadcast_in_dim3A_678 = vector.broadcast %jit3A_676 : f32 to vector<512x512xf32>
        %select_n3A_679 = arith.select %gt3A_674, %broadcast_in_dim3A_677, %broadcast_in_dim3A_678 : vector<512x512xi1>, vector<512x512xf32>
        %get3A_680 = arith.index_cast %while3A_613 : i32 to index
        %get3A_681 = arith.constant 0 : index
        %get3A_682 = arith.constant 0 : index
        %get3A_683 = vector.load %arg4[%get3A_680, %get3A_681, %get3A_682] : memref<10x1x512xf32, #tpu.memory_space<vmem>>, vector<1x1x512xf32>
        %get3A_684 = vector.shape_cast %get3A_683 : vector<1x1x512xf32> to vector<1x512xf32>
        %dot_general3A = arith.constant dense<0.000000e+00> : vector<1x512xf32>
        %dot_general3A_685 = tpu.matmul %get3A_684, %select_n3A_679, %dot_general3A {dimension_numbers = #tpu.dot_dimension_numbers<[1], [0], [0], [1], [0, 0, 1, 1], [], []>, transpose_lhs_hint = false} : vector<1x512xf32>, vector<512x512xf32>, vector<1x512xf32> -> vector<1x512xf32>
        %add3A_686 = arith.addf %while3A_614, %dot_general3A_685 : vector<1x512xf32>
        scf.yield %add3A_686 : vector<1x512xf32>
      }
      %while3A_532 = arith.constant 1 : i32
      %while3A_533 = scf.for %while3A_613 = %while3A_529 to %while3A_525 step %while3A_532 iter_args(%while3A_614 = %while3A_531) -> (vector<1x512xf32>)  : i32 {
        %get3A_615 = arith.index_cast %while3A_613 : i32 to index
        %get3A_616 = arith.constant 0 : index
        %get3A_617 = arith.constant 0 : index
        %get3A_618 = vector.load %arg0[%get3A_615, %get3A_616, %get3A_617] : memref<10x512x4xf32, #tpu.memory_space<vmem>>, vector<1x512x4xf32>
        %get3A_619 = vector.shape_cast %get3A_618 : vector<1x512x4xf32> to vector<512x4xf32>
        %slice3A_620 = vector.extract_strided_slice %get3A_619 {offsets = [0, 0], sizes = [512, 1], strides = [1, 1]} : vector<512x4xf32> to vector<512x1xf32>
        %slice3A_621 = vector.extract_strided_slice %get3A_619 {offsets = [0, 1], sizes = [512, 1], strides = [1, 1]} : vector<512x4xf32> to vector<512x1xf32>
        %slice3A_622 = vector.extract_strided_slice %get3A_619 {offsets = [0, 2], sizes = [512, 1], strides = [1, 1]} : vector<512x4xf32> to vector<512x1xf32>
        %slice3A_623 = vector.extract_strided_slice %get3A_619 {offsets = [0, 3], sizes = [512, 1], strides = [1, 1]} : vector<512x4xf32> to vector<512x1xf32>
        %div3A_624 = arith.constant 2.000000e+00 : f32
        %div3A_625 = vector.broadcast %div3A_624 : f32 to vector<512x1xf32>
        %div3A_626 = arith.divf %slice3A_622, %div3A_625 : vector<512x1xf32>
        %sub3A_627 = arith.subf %slice3A_620, %div3A_626 : vector<512x1xf32>
        %div3A_628 = arith.constant 2.000000e+00 : f32
        %div3A_629 = vector.broadcast %div3A_628 : f32 to vector<512x1xf32>
        %div3A_630 = arith.divf %slice3A_623, %div3A_629 : vector<512x1xf32>
        %sub3A_631 = arith.subf %slice3A_621, %div3A_630 : vector<512x1xf32>
        %div3A_632 = arith.constant 2.000000e+00 : f32
        %div3A_633 = vector.broadcast %div3A_632 : f32 to vector<512x1xf32>
        %div3A_634 = arith.divf %slice3A_622, %div3A_633 : vector<512x1xf32>
        %add3A_635 = arith.addf %slice3A_620, %div3A_634 : vector<512x1xf32>
        %div3A_636 = arith.constant 2.000000e+00 : f32
        %div3A_637 = vector.broadcast %div3A_636 : f32 to vector<512x1xf32>
        %div3A_638 = arith.divf %slice3A_623, %div3A_637 : vector<512x1xf32>
        %add3A_639 = arith.addf %slice3A_621, %div3A_638 : vector<512x1xf32>
        %sub3A_640 = arith.subf %add3A_635, %sub3A_627 : vector<512x1xf32>
        %sub3A_641 = arith.subf %add3A_639, %sub3A_631 : vector<512x1xf32>
        %mul3A_642 = arith.mulf %sub3A_640, %sub3A_641 : vector<512x1xf32>
        %min3A_643 = vector.broadcast %add3A_635 : vector<512x1xf32> to vector<512x512xf32>
        %min3A_644 = vector.broadcast %add3A_503 : vector<1x512xf32> to vector<512x512xf32>
        %min3A_645 = arith.minimumf %min3A_643, %min3A_644 : vector<512x512xf32>
        %max3A_646 = vector.broadcast %sub3A_627 : vector<512x1xf32> to vector<512x512xf32>
        %max3A_647 = vector.broadcast %sub3A_495 : vector<1x512xf32> to vector<512x512xf32>
        %max3A_648 = arith.maximumf %max3A_646, %max3A_647 : vector<512x512xf32>
        %sub3A_649 = arith.subf %min3A_645, %max3A_648 : vector<512x512xf32>
        %max3A_650 = arith.constant 0.000000e+00 : f32
        %max3A_651 = vector.broadcast %max3A_650 : f32 to vector<512x512xf32>
        %max3A_652 = arith.maximumf %max3A_651, %sub3A_649 : vector<512x512xf32>
        %min3A_653 = vector.broadcast %add3A_639 : vector<512x1xf32> to vector<512x512xf32>
        %min3A_654 = vector.broadcast %add3A_507 : vector<1x512xf32> to vector<512x512xf32>
        %min3A_655 = arith.minimumf %min3A_653, %min3A_654 : vector<512x512xf32>
        %max3A_656 = vector.broadcast %sub3A_631 : vector<512x1xf32> to vector<512x512xf32>
        %max3A_657 = vector.broadcast %sub3A_499 : vector<1x512xf32> to vector<512x512xf32>
        %max3A_658 = arith.maximumf %max3A_656, %max3A_657 : vector<512x512xf32>
        %sub3A_659 = arith.subf %min3A_655, %max3A_658 : vector<512x512xf32>
        %max3A_660 = arith.constant 0.000000e+00 : f32
        %max3A_661 = vector.broadcast %max3A_660 : f32 to vector<512x512xf32>
        %max3A_662 = arith.maximumf %max3A_661, %sub3A_659 : vector<512x512xf32>
        %mul3A_663 = arith.mulf %max3A_652, %max3A_662 : vector<512x512xf32>
        %add3A_664 = vector.broadcast %mul3A_642 : vector<512x1xf32> to vector<512x512xf32>
        %add3A_665 = vector.broadcast %mul3A_510 : vector<1x512xf32> to vector<512x512xf32>
        %add3A_666 = arith.addf %add3A_664, %add3A_665 : vector<512x512xf32>
        %sub3A_667 = arith.subf %add3A_666, %mul3A_663 : vector<512x512xf32>
        %add3A_668 = arith.constant 9.99999971E-10 : f32
        %add3A_669 = vector.broadcast %add3A_668 : f32 to vector<512x512xf32>
        %add3A_670 = arith.addf %sub3A_667, %add3A_669 : vector<512x512xf32>
        %mul3A_671 = arith.constant 5.000000e-01 : f32
        %mul3A_672 = vector.broadcast %mul3A_671 : f32 to vector<512x512xf32>
        %mul3A_673 = arith.mulf %mul3A_672, %add3A_670 : vector<512x512xf32>
        %gt3A_674 = arith.cmpf ogt, %mul3A_663, %mul3A_673 : vector<512x512xf32>
        %jit3A_675 = arith.constant 1.000000e+00 : f32
        %jit3A_676 = arith.constant 0.000000e+00 : f32
        %broadcast_in_dim3A_677 = vector.broadcast %jit3A_675 : f32 to vector<512x512xf32>
        %broadcast_in_dim3A_678 = vector.broadcast %jit3A_676 : f32 to vector<512x512xf32>
        %select_n3A_679 = arith.select %gt3A_674, %broadcast_in_dim3A_677, %broadcast_in_dim3A_678 : vector<512x512xi1>, vector<512x512xf32>
        %get3A_680 = arith.index_cast %while3A_613 : i32 to index
        %get3A_681 = arith.constant 0 : index
        %get3A_682 = arith.constant 0 : index
        %get3A_683 = vector.load %arg4[%get3A_680, %get3A_681, %get3A_682] : memref<10x1x512xf32, #tpu.memory_space<vmem>>, vector<1x1x512xf32>
        %get3A_684 = vector.shape_cast %get3A_683 : vector<1x1x512xf32> to vector<1x512xf32>
        %dot_general3A = arith.constant dense<0.000000e+00> : vector<1x512xf32>
        %dot_general3A_685 = tpu.matmul %get3A_684, %select_n3A_679, %dot_general3A {dimension_numbers = #tpu.dot_dimension_numbers<[1], [0], [0], [1], [0, 0, 1, 1], [], []>, transpose_lhs_hint = false} : vector<1x512xf32>, vector<512x512xf32>, vector<1x512xf32> -> vector<1x512xf32>
        %add3A_686 = arith.addf %while3A_614, %dot_general3A_685 : vector<1x512xf32>
        scf.yield %add3A_686 : vector<1x512xf32>
      }
      %gt3A_534 = arith.constant 0.000000e+00 : f32
      %gt3A_535 = vector.broadcast %gt3A_534 : f32 to vector<1x512xf32>
      %gt3A_536 = arith.cmpf ogt, %while3A_533, %gt3A_535 : vector<1x512xf32>
      %jit3A_537 = arith.constant 0.000000e+00 : f32
      %broadcast_in_dim3A_538 = vector.broadcast %jit3A_537 : f32 to vector<1x512xf32>
      %select_n3A_539 = arith.select %gt3A_536, %broadcast_in_dim3A_538, %convert_element_type3A_520 : vector<1x512xi1>, vector<1x512xf32>
      %get3A_540 = arith.index_cast %while3A_481 : i32 to index
      %get3A_541 = arith.constant 0 : index
      %get3A_542 = arith.constant 0 : index
      %get3A_543 = vector.load %arg0[%get3A_540, %get3A_541, %get3A_542] : memref<10x512x4xf32, #tpu.memory_space<vmem>>, vector<1x512x4xf32>
      %get3A_544 = vector.shape_cast %get3A_543 : vector<1x512x4xf32> to vector<512x4xf32>
      %slice3A_545 = vector.extract_strided_slice %get3A_544 {offsets = [0, 0], sizes = [512, 1], strides = [1, 1]} : vector<512x4xf32> to vector<512x1xf32>
      %slice3A_546 = vector.extract_strided_slice %get3A_544 {offsets = [0, 1], sizes = [512, 1], strides = [1, 1]} : vector<512x4xf32> to vector<512x1xf32>
      %slice3A_547 = vector.extract_strided_slice %get3A_544 {offsets = [0, 2], sizes = [512, 1], strides = [1, 1]} : vector<512x4xf32> to vector<512x1xf32>
      %slice3A_548 = vector.extract_strided_slice %get3A_544 {offsets = [0, 3], sizes = [512, 1], strides = [1, 1]} : vector<512x4xf32> to vector<512x1xf32>
      %div3A_549 = arith.constant 2.000000e+00 : f32
      %div3A_550 = vector.broadcast %div3A_549 : f32 to vector<512x1xf32>
      %div3A_551 = arith.divf %slice3A_547, %div3A_550 : vector<512x1xf32>
      %sub3A_552 = arith.subf %slice3A_545, %div3A_551 : vector<512x1xf32>
      %div3A_553 = arith.constant 2.000000e+00 : f32
      %div3A_554 = vector.broadcast %div3A_553 : f32 to vector<512x1xf32>
      %div3A_555 = arith.divf %slice3A_548, %div3A_554 : vector<512x1xf32>
      %sub3A_556 = arith.subf %slice3A_546, %div3A_555 : vector<512x1xf32>
      %div3A_557 = arith.constant 2.000000e+00 : f32
      %div3A_558 = vector.broadcast %div3A_557 : f32 to vector<512x1xf32>
      %div3A_559 = arith.divf %slice3A_547, %div3A_558 : vector<512x1xf32>
      %add3A_560 = arith.addf %slice3A_545, %div3A_559 : vector<512x1xf32>
      %div3A_561 = arith.constant 2.000000e+00 : f32
      %div3A_562 = vector.broadcast %div3A_561 : f32 to vector<512x1xf32>
      %div3A_563 = arith.divf %slice3A_548, %div3A_562 : vector<512x1xf32>
      %add3A_564 = arith.addf %slice3A_546, %div3A_563 : vector<512x1xf32>
      %sub3A_565 = arith.subf %add3A_560, %sub3A_552 : vector<512x1xf32>
      %sub3A_566 = arith.subf %add3A_564, %sub3A_556 : vector<512x1xf32>
      %mul3A_567 = arith.mulf %sub3A_565, %sub3A_566 : vector<512x1xf32>
      %min3A = vector.broadcast %add3A_560 : vector<512x1xf32> to vector<512x512xf32>
      %min3A_568 = vector.broadcast %add3A_503 : vector<1x512xf32> to vector<512x512xf32>
      %min3A_569 = arith.minimumf %min3A, %min3A_568 : vector<512x512xf32>
      %max3A = vector.broadcast %sub3A_552 : vector<512x1xf32> to vector<512x512xf32>
      %max3A_570 = vector.broadcast %sub3A_495 : vector<1x512xf32> to vector<512x512xf32>
      %max3A_571 = arith.maximumf %max3A, %max3A_570 : vector<512x512xf32>
      %sub3A_572 = arith.subf %min3A_569, %max3A_571 : vector<512x512xf32>
      %max3A_573 = arith.constant 0.000000e+00 : f32
      %max3A_574 = vector.broadcast %max3A_573 : f32 to vector<512x512xf32>
      %max3A_575 = arith.maximumf %max3A_574, %sub3A_572 : vector<512x512xf32>
      %min3A_576 = vector.broadcast %add3A_564 : vector<512x1xf32> to vector<512x512xf32>
      %min3A_577 = vector.broadcast %add3A_507 : vector<1x512xf32> to vector<512x512xf32>
      %min3A_578 = arith.minimumf %min3A_576, %min3A_577 : vector<512x512xf32>
      %max3A_579 = vector.broadcast %sub3A_556 : vector<512x1xf32> to vector<512x512xf32>
      %max3A_580 = vector.broadcast %sub3A_499 : vector<1x512xf32> to vector<512x512xf32>
      %max3A_581 = arith.maximumf %max3A_579, %max3A_580 : vector<512x512xf32>
      %sub3A_582 = arith.subf %min3A_578, %max3A_581 : vector<512x512xf32>
      %max3A_583 = arith.constant 0.000000e+00 : f32
      %max3A_584 = vector.broadcast %max3A_583 : f32 to vector<512x512xf32>
      %max3A_585 = arith.maximumf %max3A_584, %sub3A_582 : vector<512x512xf32>
      %mul3A_586 = arith.mulf %max3A_575, %max3A_585 : vector<512x512xf32>
      %add3A_587 = vector.broadcast %mul3A_567 : vector<512x1xf32> to vector<512x512xf32>
      %add3A_588 = vector.broadcast %mul3A_510 : vector<1x512xf32> to vector<512x512xf32>
      %add3A_589 = arith.addf %add3A_587, %add3A_588 : vector<512x512xf32>
      %sub3A_590 = arith.subf %add3A_589, %mul3A_586 : vector<512x512xf32>
      %add3A_591 = arith.constant 9.99999971E-10 : f32
      %add3A_592 = vector.broadcast %add3A_591 : f32 to vector<512x512xf32>
      %add3A_593 = arith.addf %sub3A_590, %add3A_592 : vector<512x512xf32>
      %mul3A_594 = arith.constant 5.000000e-01 : f32
      %mul3A_595 = vector.broadcast %mul3A_594 : f32 to vector<512x512xf32>
      %mul3A_596 = arith.mulf %mul3A_595, %add3A_593 : vector<512x512xf32>
      %gt3A_597 = arith.cmpf ogt, %mul3A_586, %mul3A_596 : vector<512x512xf32>
      %jit3A_598 = arith.constant 1.000000e+00 : f32
      %jit3A_599 = arith.constant 0.000000e+00 : f32
      %broadcast_in_dim3A_600 = vector.broadcast %jit3A_598 : f32 to vector<512x512xf32>
      %broadcast_in_dim3A_601 = vector.broadcast %jit3A_599 : f32 to vector<512x512xf32>
      %select_n3A_602 = arith.select %gt3A_597, %broadcast_in_dim3A_600, %broadcast_in_dim3A_601 : vector<512x512xi1>, vector<512x512xf32>
      %mul3A_603 = arith.mulf %select_n3A_602, %convert_element_type3A_32 : vector<512x512xf32>
      %while3A_604 = arith.constant true
      %while3A_605:2 = scf.while (%while3A_613 = %select_n3A_539, %while3A_614 = %while3A_604) : (vector<1x512xf32>, i1) -> (vector<1x512xf32>, i1) {
        scf.condition(%while3A_614) %while3A_613, %while3A_614 : vector<1x512xf32>, i1
      } do {
      ^bb0(%while3A_613: vector<1x512xf32>, %while3A_614: i1):
        %dot_general3A = arith.constant dense<0.000000e+00> : vector<1x512xf32>
        %dot_general3A_615 = tpu.matmul %while3A_613, %mul3A_603, %dot_general3A {dimension_numbers = #tpu.dot_dimension_numbers<[1], [0], [0], [1], [0, 0, 1, 1], [], []>, transpose_lhs_hint = false} : vector<1x512xf32>, vector<512x512xf32>, vector<1x512xf32> -> vector<1x512xf32>
        %gt3A_616 = arith.constant 0.000000e+00 : f32
        %gt3A_617 = vector.broadcast %gt3A_616 : f32 to vector<1x512xf32>
        %gt3A_618 = arith.cmpf ogt, %dot_general3A_615, %gt3A_617 : vector<1x512xf32>
        %jit3A_619 = arith.constant 0.000000e+00 : f32
        %broadcast_in_dim3A_620 = vector.broadcast %jit3A_619 : f32 to vector<1x512xf32>
        %select_n3A_621 = arith.select %gt3A_618, %broadcast_in_dim3A_620, %select_n3A_539 : vector<1x512xi1>, vector<1x512xf32>
        %ne3A_622 = arith.cmpf one, %select_n3A_621, %while3A_613 : vector<1x512xf32>
        %reduce_or3A = arith.constant 1.000000e+00 : f32
        %reduce_or3A_623 = arith.constant 0.000000e+00 : f32
        %reduce_or3A_624 = vector.broadcast %reduce_or3A : f32 to vector<1x512xf32>
        %reduce_or3A_625 = vector.broadcast %reduce_or3A_623 : f32 to vector<1x512xf32>
        %reduce_or3A_626 = arith.select %ne3A_622, %reduce_or3A_624, %reduce_or3A_625 : vector<1x512xi1>, vector<1x512xf32>
        %reduce_or3A_627 = vector.shape_cast %reduce_or3A_626 : vector<1x512xf32> to vector<1x1x512xf32>
        %reduce_or3A_628 = arith.constant dense<0xFF800000> : vector<1xf32>
        %reduce_or3A_629 = vector.multi_reduction <maximumf>, %reduce_or3A_627, %reduce_or3A_628 [1, 2] : vector<1x1x512xf32> to vector<1xf32>
        %reduce_or3A_630 = vector.shape_cast %reduce_or3A_629 : vector<1xf32> to vector<1x1x1xf32>
        %reduce_or3A_631 = vector.extract %reduce_or3A_630[0, 0, 0] : f32 from vector<1x1x1xf32>
        %reduce_or3A_632 = arith.constant 0.000000e+00 : f32
        %reduce_or3A_633 = arith.cmpf ogt, %reduce_or3A_631, %reduce_or3A_632 : f32
        scf.yield %select_n3A_621, %reduce_or3A_633 : vector<1x512xf32>, i1
      }
      %swap3A_606 = arith.index_cast %while3A_481 : i32 to index
      %swap3A_607 = arith.constant 0 : index
      %swap3A_608 = arith.constant 0 : index
      %swap3A_609 = vector.load %arg4[%swap3A_606, %swap3A_607, %swap3A_608] : memref<10x1x512xf32, #tpu.memory_space<vmem>>, vector<1x1x512xf32>
      %swap3A_610 = vector.shape_cast %swap3A_609 : vector<1x1x512xf32> to vector<1x512xf32>
      %swap3A_611 = vector.shape_cast %while3A_605#0 : vector<1x512xf32> to vector<1x1x512xf32>
      tpu.vector_store %arg4[%swap3A_606, %swap3A_607, %swap3A_608], %swap3A_611 {strides = array<i32>} : memref<10x1x512xf32, #tpu.memory_space<vmem>>, vector<1x1x512xf32>,
      %while3A_612 = arith.constant 0 : i32
      scf.yield %while3A_612 : i32
    }
    %while3A_42 = arith.constant 1 : i32
    %while3A_43 = scf.for %while3A_481 = %while3A_39 to %while3A_35 step %while3A_42 iter_args(%while3A_482 = %while3A_41) -> (i32)  : i32 {
      %get3A_483 = arith.index_cast %while3A_481 : i32 to index
      %get3A_484 = arith.constant 0 : index
      %get3A_485 = arith.constant 0 : index
      %get3A_486 = vector.load %arg1[%get3A_483, %get3A_484, %get3A_485] : memref<10x4x512xf32, #tpu.memory_space<vmem>>, vector<1x4x512xf32>
      %get3A_487 = vector.shape_cast %get3A_486 : vector<1x4x512xf32> to vector<4x512xf32>
      %slice3A_488 = vector.extract_strided_slice %get3A_487 {offsets = [0, 0], sizes = [1, 512], strides = [1, 1]} : vector<4x512xf32> to vector<1x512xf32>
      %slice3A_489 = vector.extract_strided_slice %get3A_487 {offsets = [1, 0], sizes = [1, 512], strides = [1, 1]} : vector<4x512xf32> to vector<1x512xf32>
      %slice3A_490 = vector.extract_strided_slice %get3A_487 {offsets = [2, 0], sizes = [1, 512], strides = [1, 1]} : vector<4x512xf32> to vector<1x512xf32>
      %slice3A_491 = vector.extract_strided_slice %get3A_487 {offsets = [3, 0], sizes = [1, 512], strides = [1, 1]} : vector<4x512xf32> to vector<1x512xf32>
      %div3A_492 = arith.constant 2.000000e+00 : f32
      %div3A_493 = vector.broadcast %div3A_492 : f32 to vector<1x512xf32>
      %div3A_494 = arith.divf %slice3A_490, %div3A_493 : vector<1x512xf32>
      %sub3A_495 = arith.subf %slice3A_488, %div3A_494 : vector<1x512xf32>
      %div3A_496 = arith.constant 2.000000e+00 : f32
      %div3A_497 = vector.broadcast %div3A_496 : f32 to vector<1x512xf32>
      %div3A_498 = arith.divf %slice3A_491, %div3A_497 : vector<1x512xf32>
      %sub3A_499 = arith.subf %slice3A_489, %div3A_498 : vector<1x512xf32>
      %div3A_500 = arith.constant 2.000000e+00 : f32
      %div3A_501 = vector.broadcast %div3A_500 : f32 to vector<1x512xf32>
      %div3A_502 = arith.divf %slice3A_490, %div3A_501 : vector<1x512xf32>
      %add3A_503 = arith.addf %slice3A_488, %div3A_502 : vector<1x512xf32>
      %div3A_504 = arith.constant 2.000000e+00 : f32
      %div3A_505 = vector.broadcast %div3A_504 : f32 to vector<1x512xf32>
      %div3A_506 = arith.divf %slice3A_491, %div3A_505 : vector<1x512xf32>
      %add3A_507 = arith.addf %slice3A_489, %div3A_506 : vector<1x512xf32>
      %sub3A_508 = arith.subf %add3A_503, %sub3A_495 : vector<1x512xf32>
      %sub3A_509 = arith.subf %add3A_507, %sub3A_499 : vector<1x512xf32>
      %mul3A_510 = arith.mulf %sub3A_508, %sub3A_509 : vector<1x512xf32>
      %get3A_511 = arith.index_cast %while3A_481 : i32 to index
      %get3A_512 = arith.constant 0 : index
      %get3A_513 = arith.constant 0 : index
      %get3A_514 = vector.load %arg2[%get3A_511, %get3A_512, %get3A_513] : memref<10x1x512xf32, #tpu.memory_space<vmem>>, vector<1x1x512xf32>
      %get3A_515 = vector.shape_cast %get3A_514 : vector<1x1x512xf32> to vector<1x512xf32>
      %gt3A_516 = arith.constant 5.000000e-01 : f32
      %gt3A_517 = vector.broadcast %gt3A_516 : f32 to vector<1x512xf32>
      %gt3A_518 = arith.cmpf ogt, %get3A_515, %gt3A_517 : vector<1x512xf32>
      %convert_element_type3A_519 = arith.extui %gt3A_518 : vector<1x512xi1> to vector<1x512xi32>
      %convert_element_type3A_520 = arith.sitofp %convert_element_type3A_519 : vector<1x512xi32> to vector<1x512xf32>
      %broadcast_in_dim3A_521 = arith.constant 0.000000e+00 : f32
      %broadcast_in_dim3A_522 = vector.broadcast %broadcast_in_dim3A_521 : f32 to vector<1x512xf32>
      %while3A_523 = arith.constant 0 : i32
      %while3A_524 = arith.subi %while3A_481, %while3A_523 : i32
      %while3A_525 = arith.addi %while3A_523, %while3A_524 : i32
      %while3A_526 = arith.constant 1 : i32
      %while3A_527 = arith.divsi %while3A_524, %while3A_526 : i32
      %while3A_528 = arith.muli %while3A_527, %while3A_526 : i32
      %while3A_529 = arith.addi %while3A_523, %while3A_528 : i32
      %while3A_530 = arith.constant 1 : i32
      %while3A_531 = scf.for %while3A_613 = %while3A_523 to %while3A_529 step %while3A_530 iter_args(%while3A_614 = %broadcast_in_dim3A_522) -> (vector<1x512xf32>)  : i32 {
        %get3A_615 = arith.index_cast %while3A_613 : i32 to index
        %get3A_616 = arith.constant 0 : index
        %get3A_617 = arith.constant 0 : index
        %get3A_618 = vector.load %arg0[%get3A_615, %get3A_616, %get3A_617] : memref<10x512x4xf32, #tpu.memory_space<vmem>>, vector<1x512x4xf32>
        %get3A_619 = vector.shape_cast %get3A_618 : vector<1x512x4xf32> to vector<512x4xf32>
        %slice3A_620 = vector.extract_strided_slice %get3A_619 {offsets = [0, 0], sizes = [512, 1], strides = [1, 1]} : vector<512x4xf32> to vector<512x1xf32>
        %slice3A_621 = vector.extract_strided_slice %get3A_619 {offsets = [0, 1], sizes = [512, 1], strides = [1, 1]} : vector<512x4xf32> to vector<512x1xf32>
        %slice3A_622 = vector.extract_strided_slice %get3A_619 {offsets = [0, 2], sizes = [512, 1], strides = [1, 1]} : vector<512x4xf32> to vector<512x1xf32>
        %slice3A_623 = vector.extract_strided_slice %get3A_619 {offsets = [0, 3], sizes = [512, 1], strides = [1, 1]} : vector<512x4xf32> to vector<512x1xf32>
        %div3A_624 = arith.constant 2.000000e+00 : f32
        %div3A_625 = vector.broadcast %div3A_624 : f32 to vector<512x1xf32>
        %div3A_626 = arith.divf %slice3A_622, %div3A_625 : vector<512x1xf32>
        %sub3A_627 = arith.subf %slice3A_620, %div3A_626 : vector<512x1xf32>
        %div3A_628 = arith.constant 2.000000e+00 : f32
        %div3A_629 = vector.broadcast %div3A_628 : f32 to vector<512x1xf32>
        %div3A_630 = arith.divf %slice3A_623, %div3A_629 : vector<512x1xf32>
        %sub3A_631 = arith.subf %slice3A_621, %div3A_630 : vector<512x1xf32>
        %div3A_632 = arith.constant 2.000000e+00 : f32
        %div3A_633 = vector.broadcast %div3A_632 : f32 to vector<512x1xf32>
        %div3A_634 = arith.divf %slice3A_622, %div3A_633 : vector<512x1xf32>
        %add3A_635 = arith.addf %slice3A_620, %div3A_634 : vector<512x1xf32>
        %div3A_636 = arith.constant 2.000000e+00 : f32
        %div3A_637 = vector.broadcast %div3A_636 : f32 to vector<512x1xf32>
        %div3A_638 = arith.divf %slice3A_623, %div3A_637 : vector<512x1xf32>
        %add3A_639 = arith.addf %slice3A_621, %div3A_638 : vector<512x1xf32>
        %sub3A_640 = arith.subf %add3A_635, %sub3A_627 : vector<512x1xf32>
        %sub3A_641 = arith.subf %add3A_639, %sub3A_631 : vector<512x1xf32>
        %mul3A_642 = arith.mulf %sub3A_640, %sub3A_641 : vector<512x1xf32>
        %min3A_643 = vector.broadcast %add3A_635 : vector<512x1xf32> to vector<512x512xf32>
        %min3A_644 = vector.broadcast %add3A_503 : vector<1x512xf32> to vector<512x512xf32>
        %min3A_645 = arith.minimumf %min3A_643, %min3A_644 : vector<512x512xf32>
        %max3A_646 = vector.broadcast %sub3A_627 : vector<512x1xf32> to vector<512x512xf32>
        %max3A_647 = vector.broadcast %sub3A_495 : vector<1x512xf32> to vector<512x512xf32>
        %max3A_648 = arith.maximumf %max3A_646, %max3A_647 : vector<512x512xf32>
        %sub3A_649 = arith.subf %min3A_645, %max3A_648 : vector<512x512xf32>
        %max3A_650 = arith.constant 0.000000e+00 : f32
        %max3A_651 = vector.broadcast %max3A_650 : f32 to vector<512x512xf32>
        %max3A_652 = arith.maximumf %max3A_651, %sub3A_649 : vector<512x512xf32>
        %min3A_653 = vector.broadcast %add3A_639 : vector<512x1xf32> to vector<512x512xf32>
        %min3A_654 = vector.broadcast %add3A_507 : vector<1x512xf32> to vector<512x512xf32>
        %min3A_655 = arith.minimumf %min3A_653, %min3A_654 : vector<512x512xf32>
        %max3A_656 = vector.broadcast %sub3A_631 : vector<512x1xf32> to vector<512x512xf32>
        %max3A_657 = vector.broadcast %sub3A_499 : vector<1x512xf32> to vector<512x512xf32>
        %max3A_658 = arith.maximumf %max3A_656, %max3A_657 : vector<512x512xf32>
        %sub3A_659 = arith.subf %min3A_655, %max3A_658 : vector<512x512xf32>
        %max3A_660 = arith.constant 0.000000e+00 : f32
        %max3A_661 = vector.broadcast %max3A_660 : f32 to vector<512x512xf32>
        %max3A_662 = arith.maximumf %max3A_661, %sub3A_659 : vector<512x512xf32>
        %mul3A_663 = arith.mulf %max3A_652, %max3A_662 : vector<512x512xf32>
        %add3A_664 = vector.broadcast %mul3A_642 : vector<512x1xf32> to vector<512x512xf32>
        %add3A_665 = vector.broadcast %mul3A_510 : vector<1x512xf32> to vector<512x512xf32>
        %add3A_666 = arith.addf %add3A_664, %add3A_665 : vector<512x512xf32>
        %sub3A_667 = arith.subf %add3A_666, %mul3A_663 : vector<512x512xf32>
        %add3A_668 = arith.constant 9.99999971E-10 : f32
        %add3A_669 = vector.broadcast %add3A_668 : f32 to vector<512x512xf32>
        %add3A_670 = arith.addf %sub3A_667, %add3A_669 : vector<512x512xf32>
        %mul3A_671 = arith.constant 5.000000e-01 : f32
        %mul3A_672 = vector.broadcast %mul3A_671 : f32 to vector<512x512xf32>
        %mul3A_673 = arith.mulf %mul3A_672, %add3A_670 : vector<512x512xf32>
        %gt3A_674 = arith.cmpf ogt, %mul3A_663, %mul3A_673 : vector<512x512xf32>
        %jit3A_675 = arith.constant 1.000000e+00 : f32
        %jit3A_676 = arith.constant 0.000000e+00 : f32
        %broadcast_in_dim3A_677 = vector.broadcast %jit3A_675 : f32 to vector<512x512xf32>
        %broadcast_in_dim3A_678 = vector.broadcast %jit3A_676 : f32 to vector<512x512xf32>
        %select_n3A_679 = arith.select %gt3A_674, %broadcast_in_dim3A_677, %broadcast_in_dim3A_678 : vector<512x512xi1>, vector<512x512xf32>
        %get3A_680 = arith.index_cast %while3A_613 : i32 to index
        %get3A_681 = arith.constant 0 : index
        %get3A_682 = arith.constant 0 : index
        %get3A_683 = vector.load %arg4[%get3A_680, %get3A_681, %get3A_682] : memref<10x1x512xf32, #tpu.memory_space<vmem>>, vector<1x1x512xf32>
        %get3A_684 = vector.shape_cast %get3A_683 : vector<1x1x512xf32> to vector<1x512xf32>
        %dot_general3A = arith.constant dense<0.000000e+00> : vector<1x512xf32>
        %dot_general3A_685 = tpu.matmul %get3A_684, %select_n3A_679, %dot_general3A {dimension_numbers = #tpu.dot_dimension_numbers<[1], [0], [0], [1], [0, 0, 1, 1], [], []>, transpose_lhs_hint = false} : vector<1x512xf32>, vector<512x512xf32>, vector<1x512xf32> -> vector<1x512xf32>
        %add3A_686 = arith.addf %while3A_614, %dot_general3A_685 : vector<1x512xf32>
        scf.yield %add3A_686 : vector<1x512xf32>
      }
      %while3A_532 = arith.constant 1 : i32
      %while3A_533 = scf.for %while3A_613 = %while3A_529 to %while3A_525 step %while3A_532 iter_args(%while3A_614 = %while3A_531) -> (vector<1x512xf32>)  : i32 {
        %get3A_615 = arith.index_cast %while3A_613 : i32 to index
        %get3A_616 = arith.constant 0 : index
        %get3A_617 = arith.constant 0 : index
        %get3A_618 = vector.load %arg0[%get3A_615, %get3A_616, %get3A_617] : memref<10x512x4xf32, #tpu.memory_space<vmem>>, vector<1x512x4xf32>
        %get3A_619 = vector.shape_cast %get3A_618 : vector<1x512x4xf32> to vector<512x4xf32>
        %slice3A_620 = vector.extract_strided_slice %get3A_619 {offsets = [0, 0], sizes = [512, 1], strides = [1, 1]} : vector<512x4xf32> to vector<512x1xf32>
        %slice3A_621 = vector.extract_strided_slice %get3A_619 {offsets = [0, 1], sizes = [512, 1], strides = [1, 1]} : vector<512x4xf32> to vector<512x1xf32>
        %slice3A_622 = vector.extract_strided_slice %get3A_619 {offsets = [0, 2], sizes = [512, 1], strides = [1, 1]} : vector<512x4xf32> to vector<512x1xf32>
        %slice3A_623 = vector.extract_strided_slice %get3A_619 {offsets = [0, 3], sizes = [512, 1], strides = [1, 1]} : vector<512x4xf32> to vector<512x1xf32>
        %div3A_624 = arith.constant 2.000000e+00 : f32
        %div3A_625 = vector.broadcast %div3A_624 : f32 to vector<512x1xf32>
        %div3A_626 = arith.divf %slice3A_622, %div3A_625 : vector<512x1xf32>
        %sub3A_627 = arith.subf %slice3A_620, %div3A_626 : vector<512x1xf32>
        %div3A_628 = arith.constant 2.000000e+00 : f32
        %div3A_629 = vector.broadcast %div3A_628 : f32 to vector<512x1xf32>
        %div3A_630 = arith.divf %slice3A_623, %div3A_629 : vector<512x1xf32>
        %sub3A_631 = arith.subf %slice3A_621, %div3A_630 : vector<512x1xf32>
        %div3A_632 = arith.constant 2.000000e+00 : f32
        %div3A_633 = vector.broadcast %div3A_632 : f32 to vector<512x1xf32>
        %div3A_634 = arith.divf %slice3A_622, %div3A_633 : vector<512x1xf32>
        %add3A_635 = arith.addf %slice3A_620, %div3A_634 : vector<512x1xf32>
        %div3A_636 = arith.constant 2.000000e+00 : f32
        %div3A_637 = vector.broadcast %div3A_636 : f32 to vector<512x1xf32>
        %div3A_638 = arith.divf %slice3A_623, %div3A_637 : vector<512x1xf32>
        %add3A_639 = arith.addf %slice3A_621, %div3A_638 : vector<512x1xf32>
        %sub3A_640 = arith.subf %add3A_635, %sub3A_627 : vector<512x1xf32>
        %sub3A_641 = arith.subf %add3A_639, %sub3A_631 : vector<512x1xf32>
        %mul3A_642 = arith.mulf %sub3A_640, %sub3A_641 : vector<512x1xf32>
        %min3A_643 = vector.broadcast %add3A_635 : vector<512x1xf32> to vector<512x512xf32>
        %min3A_644 = vector.broadcast %add3A_503 : vector<1x512xf32> to vector<512x512xf32>
        %min3A_645 = arith.minimumf %min3A_643, %min3A_644 : vector<512x512xf32>
        %max3A_646 = vector.broadcast %sub3A_627 : vector<512x1xf32> to vector<512x512xf32>
        %max3A_647 = vector.broadcast %sub3A_495 : vector<1x512xf32> to vector<512x512xf32>
        %max3A_648 = arith.maximumf %max3A_646, %max3A_647 : vector<512x512xf32>
        %sub3A_649 = arith.subf %min3A_645, %max3A_648 : vector<512x512xf32>
        %max3A_650 = arith.constant 0.000000e+00 : f32
        %max3A_651 = vector.broadcast %max3A_650 : f32 to vector<512x512xf32>
        %max3A_652 = arith.maximumf %max3A_651, %sub3A_649 : vector<512x512xf32>
        %min3A_653 = vector.broadcast %add3A_639 : vector<512x1xf32> to vector<512x512xf32>
        %min3A_654 = vector.broadcast %add3A_507 : vector<1x512xf32> to vector<512x512xf32>
        %min3A_655 = arith.minimumf %min3A_653, %min3A_654 : vector<512x512xf32>
        %max3A_656 = vector.broadcast %sub3A_631 : vector<512x1xf32> to vector<512x512xf32>
        %max3A_657 = vector.broadcast %sub3A_499 : vector<1x512xf32> to vector<512x512xf32>
        %max3A_658 = arith.maximumf %max3A_656, %max3A_657 : vector<512x512xf32>
        %sub3A_659 = arith.subf %min3A_655, %max3A_658 : vector<512x512xf32>
        %max3A_660 = arith.constant 0.000000e+00 : f32
        %max3A_661 = vector.broadcast %max3A_660 : f32 to vector<512x512xf32>
        %max3A_662 = arith.maximumf %max3A_661, %sub3A_659 : vector<512x512xf32>
        %mul3A_663 = arith.mulf %max3A_652, %max3A_662 : vector<512x512xf32>
        %add3A_664 = vector.broadcast %mul3A_642 : vector<512x1xf32> to vector<512x512xf32>
        %add3A_665 = vector.broadcast %mul3A_510 : vector<1x512xf32> to vector<512x512xf32>
        %add3A_666 = arith.addf %add3A_664, %add3A_665 : vector<512x512xf32>
        %sub3A_667 = arith.subf %add3A_666, %mul3A_663 : vector<512x512xf32>
        %add3A_668 = arith.constant 9.99999971E-10 : f32
        %add3A_669 = vector.broadcast %add3A_668 : f32 to vector<512x512xf32>
        %add3A_670 = arith.addf %sub3A_667, %add3A_669 : vector<512x512xf32>
        %mul3A_671 = arith.constant 5.000000e-01 : f32
        %mul3A_672 = vector.broadcast %mul3A_671 : f32 to vector<512x512xf32>
        %mul3A_673 = arith.mulf %mul3A_672, %add3A_670 : vector<512x512xf32>
        %gt3A_674 = arith.cmpf ogt, %mul3A_663, %mul3A_673 : vector<512x512xf32>
        %jit3A_675 = arith.constant 1.000000e+00 : f32
        %jit3A_676 = arith.constant 0.000000e+00 : f32
        %broadcast_in_dim3A_677 = vector.broadcast %jit3A_675 : f32 to vector<512x512xf32>
        %broadcast_in_dim3A_678 = vector.broadcast %jit3A_676 : f32 to vector<512x512xf32>
        %select_n3A_679 = arith.select %gt3A_674, %broadcast_in_dim3A_677, %broadcast_in_dim3A_678 : vector<512x512xi1>, vector<512x512xf32>
        %get3A_680 = arith.index_cast %while3A_613 : i32 to index
        %get3A_681 = arith.constant 0 : index
        %get3A_682 = arith.constant 0 : index
        %get3A_683 = vector.load %arg4[%get3A_680, %get3A_681, %get3A_682] : memref<10x1x512xf32, #tpu.memory_space<vmem>>, vector<1x1x512xf32>
        %get3A_684 = vector.shape_cast %get3A_683 : vector<1x1x512xf32> to vector<1x512xf32>
        %dot_general3A = arith.constant dense<0.000000e+00> : vector<1x512xf32>
        %dot_general3A_685 = tpu.matmul %get3A_684, %select_n3A_679, %dot_general3A {dimension_numbers = #tpu.dot_dimension_numbers<[1], [0], [0], [1], [0, 0, 1, 1], [], []>, transpose_lhs_hint = false} : vector<1x512xf32>, vector<512x512xf32>, vector<1x512xf32> -> vector<1x512xf32>
        %add3A_686 = arith.addf %while3A_614, %dot_general3A_685 : vector<1x512xf32>
        scf.yield %add3A_686 : vector<1x512xf32>
      }
      %gt3A_534 = arith.constant 0.000000e+00 : f32
      %gt3A_535 = vector.broadcast %gt3A_534 : f32 to vector<1x512xf32>
      %gt3A_536 = arith.cmpf ogt, %while3A_533, %gt3A_535 : vector<1x512xf32>
      %jit3A_537 = arith.constant 0.000000e+00 : f32
      %broadcast_in_dim3A_538 = vector.broadcast %jit3A_537 : f32 to vector<1x512xf32>
      %select_n3A_539 = arith.select %gt3A_536, %broadcast_in_dim3A_538, %convert_element_type3A_520 : vector<1x512xi1>, vector<1x512xf32>
      %get3A_540 = arith.index_cast %while3A_481 : i32 to index
      %get3A_541 = arith.constant 0 : index
      %get3A_542 = arith.constant 0 : index
      %get3A_543 = vector.load %arg0[%get3A_540, %get3A_541, %get3A_542] : memref<10x512x4xf32, #tpu.memory_space<vmem>>, vector<1x512x4xf32>
      %get3A_544 = vector.shape_cast %get3A_543 : vector<1x512x4xf32> to vector<512x4xf32>
      %slice3A_545 = vector.extract_strided_slice %get3A_544 {offsets = [0, 0], sizes = [512, 1], strides = [1, 1]} : vector<512x4xf32> to vector<512x1xf32>
      %slice3A_546 = vector.extract_strided_slice %get3A_544 {offsets = [0, 1], sizes = [512, 1], strides = [1, 1]} : vector<512x4xf32> to vector<512x1xf32>
      %slice3A_547 = vector.extract_strided_slice %get3A_544 {offsets = [0, 2], sizes = [512, 1], strides = [1, 1]} : vector<512x4xf32> to vector<512x1xf32>
      %slice3A_548 = vector.extract_strided_slice %get3A_544 {offsets = [0, 3], sizes = [512, 1], strides = [1, 1]} : vector<512x4xf32> to vector<512x1xf32>
      %div3A_549 = arith.constant 2.000000e+00 : f32
      %div3A_550 = vector.broadcast %div3A_549 : f32 to vector<512x1xf32>
      %div3A_551 = arith.divf %slice3A_547, %div3A_550 : vector<512x1xf32>
      %sub3A_552 = arith.subf %slice3A_545, %div3A_551 : vector<512x1xf32>
      %div3A_553 = arith.constant 2.000000e+00 : f32
      %div3A_554 = vector.broadcast %div3A_553 : f32 to vector<512x1xf32>
      %div3A_555 = arith.divf %slice3A_548, %div3A_554 : vector<512x1xf32>
      %sub3A_556 = arith.subf %slice3A_546, %div3A_555 : vector<512x1xf32>
      %div3A_557 = arith.constant 2.000000e+00 : f32
      %div3A_558 = vector.broadcast %div3A_557 : f32 to vector<512x1xf32>
      %div3A_559 = arith.divf %slice3A_547, %div3A_558 : vector<512x1xf32>
      %add3A_560 = arith.addf %slice3A_545, %div3A_559 : vector<512x1xf32>
      %div3A_561 = arith.constant 2.000000e+00 : f32
      %div3A_562 = vector.broadcast %div3A_561 : f32 to vector<512x1xf32>
      %div3A_563 = arith.divf %slice3A_548, %div3A_562 : vector<512x1xf32>
      %add3A_564 = arith.addf %slice3A_546, %div3A_563 : vector<512x1xf32>
      %sub3A_565 = arith.subf %add3A_560, %sub3A_552 : vector<512x1xf32>
      %sub3A_566 = arith.subf %add3A_564, %sub3A_556 : vector<512x1xf32>
      %mul3A_567 = arith.mulf %sub3A_565, %sub3A_566 : vector<512x1xf32>
      %min3A = vector.broadcast %add3A_560 : vector<512x1xf32> to vector<512x512xf32>
      %min3A_568 = vector.broadcast %add3A_503 : vector<1x512xf32> to vector<512x512xf32>
      %min3A_569 = arith.minimumf %min3A, %min3A_568 : vector<512x512xf32>
      %max3A = vector.broadcast %sub3A_552 : vector<512x1xf32> to vector<512x512xf32>
      %max3A_570 = vector.broadcast %sub3A_495 : vector<1x512xf32> to vector<512x512xf32>
      %max3A_571 = arith.maximumf %max3A, %max3A_570 : vector<512x512xf32>
      %sub3A_572 = arith.subf %min3A_569, %max3A_571 : vector<512x512xf32>
      %max3A_573 = arith.constant 0.000000e+00 : f32
      %max3A_574 = vector.broadcast %max3A_573 : f32 to vector<512x512xf32>
      %max3A_575 = arith.maximumf %max3A_574, %sub3A_572 : vector<512x512xf32>
      %min3A_576 = vector.broadcast %add3A_564 : vector<512x1xf32> to vector<512x512xf32>
      %min3A_577 = vector.broadcast %add3A_507 : vector<1x512xf32> to vector<512x512xf32>
      %min3A_578 = arith.minimumf %min3A_576, %min3A_577 : vector<512x512xf32>
      %max3A_579 = vector.broadcast %sub3A_556 : vector<512x1xf32> to vector<512x512xf32>
      %max3A_580 = vector.broadcast %sub3A_499 : vector<1x512xf32> to vector<512x512xf32>
      %max3A_581 = arith.maximumf %max3A_579, %max3A_580 : vector<512x512xf32>
      %sub3A_582 = arith.subf %min3A_578, %max3A_581 : vector<512x512xf32>
      %max3A_583 = arith.constant 0.000000e+00 : f32
      %max3A_584 = vector.broadcast %max3A_583 : f32 to vector<512x512xf32>
      %max3A_585 = arith.maximumf %max3A_584, %sub3A_582 : vector<512x512xf32>
      %mul3A_586 = arith.mulf %max3A_575, %max3A_585 : vector<512x512xf32>
      %add3A_587 = vector.broadcast %mul3A_567 : vector<512x1xf32> to vector<512x512xf32>
      %add3A_588 = vector.broadcast %mul3A_510 : vector<1x512xf32> to vector<512x512xf32>
      %add3A_589 = arith.addf %add3A_587, %add3A_588 : vector<512x512xf32>
      %sub3A_590 = arith.subf %add3A_589, %mul3A_586 : vector<512x512xf32>
      %add3A_591 = arith.constant 9.99999971E-10 : f32
      %add3A_592 = vector.broadcast %add3A_591 : f32 to vector<512x512xf32>
      %add3A_593 = arith.addf %sub3A_590, %add3A_592 : vector<512x512xf32>
      %mul3A_594 = arith.constant 5.000000e-01 : f32
      %mul3A_595 = vector.broadcast %mul3A_594 : f32 to vector<512x512xf32>
      %mul3A_596 = arith.mulf %mul3A_595, %add3A_593 : vector<512x512xf32>
      %gt3A_597 = arith.cmpf ogt, %mul3A_586, %mul3A_596 : vector<512x512xf32>
      %jit3A_598 = arith.constant 1.000000e+00 : f32
      %jit3A_599 = arith.constant 0.000000e+00 : f32
      %broadcast_in_dim3A_600 = vector.broadcast %jit3A_598 : f32 to vector<512x512xf32>
      %broadcast_in_dim3A_601 = vector.broadcast %jit3A_599 : f32 to vector<512x512xf32>
      %select_n3A_602 = arith.select %gt3A_597, %broadcast_in_dim3A_600, %broadcast_in_dim3A_601 : vector<512x512xi1>, vector<512x512xf32>
      %mul3A_603 = arith.mulf %select_n3A_602, %convert_element_type3A_32 : vector<512x512xf32>
      %while3A_604 = arith.constant true
      %while3A_605:2 = scf.while (%while3A_613 = %select_n3A_539, %while3A_614 = %while3A_604) : (vector<1x512xf32>, i1) -> (vector<1x512xf32>, i1) {
        scf.condition(%while3A_614) %while3A_613, %while3A_614 : vector<1x512xf32>, i1
      } do {
      ^bb0(%while3A_613: vector<1x512xf32>, %while3A_614: i1):
        %dot_general3A = arith.constant dense<0.000000e+00> : vector<1x512xf32>
        %dot_general3A_615 = tpu.matmul %while3A_613, %mul3A_603, %dot_general3A {dimension_numbers = #tpu.dot_dimension_numbers<[1], [0], [0], [1], [0, 0, 1, 1], [], []>, transpose_lhs_hint = false} : vector<1x512xf32>, vector<512x512xf32>, vector<1x512xf32> -> vector<1x512xf32>
        %gt3A_616 = arith.constant 0.000000e+00 : f32
        %gt3A_617 = vector.broadcast %gt3A_616 : f32 to vector<1x512xf32>
        %gt3A_618 = arith.cmpf ogt, %dot_general3A_615, %gt3A_617 : vector<1x512xf32>
        %jit3A_619 = arith.constant 0.000000e+00 : f32
        %broadcast_in_dim3A_620 = vector.broadcast %jit3A_619 : f32 to vector<1x512xf32>
        %select_n3A_621 = arith.select %gt3A_618, %broadcast_in_dim3A_620, %select_n3A_539 : vector<1x512xi1>, vector<1x512xf32>
        %ne3A_622 = arith.cmpf one, %select_n3A_621, %while3A_613 : vector<1x512xf32>
        %reduce_or3A = arith.constant 1.000000e+00 : f32
        %reduce_or3A_623 = arith.constant 0.000000e+00 : f32
        %reduce_or3A_624 = vector.broadcast %reduce_or3A : f32 to vector<1x512xf32>
        %reduce_or3A_625 = vector.broadcast %reduce_or3A_623 : f32 to vector<1x512xf32>
        %reduce_or3A_626 = arith.select %ne3A_622, %reduce_or3A_624, %reduce_or3A_625 : vector<1x512xi1>, vector<1x512xf32>
        %reduce_or3A_627 = vector.shape_cast %reduce_or3A_626 : vector<1x512xf32> to vector<1x1x512xf32>
        %reduce_or3A_628 = arith.constant dense<0xFF800000> : vector<1xf32>
        %reduce_or3A_629 = vector.multi_reduction <maximumf>, %reduce_or3A_627, %reduce_or3A_628 [1, 2] : vector<1x1x512xf32> to vector<1xf32>
        %reduce_or3A_630 = vector.shape_cast %reduce_or3A_629 : vector<1xf32> to vector<1x1x1xf32>
        %reduce_or3A_631 = vector.extract %reduce_or3A_630[0, 0, 0] : f32 from vector<1x1x1xf32>
        %reduce_or3A_632 = arith.constant 0.000000e+00 : f32
        %reduce_or3A_633 = arith.cmpf ogt, %reduce_or3A_631, %reduce_or3A_632 : f32
        scf.yield %select_n3A_621, %reduce_or3A_633 : vector<1x512xf32>, i1
      }
      %swap3A_606 = arith.index_cast %while3A_481 : i32 to index
      %swap3A_607 = arith.constant 0 : index
      %swap3A_608 = arith.constant 0 : index
      %swap3A_609 = vector.load %arg4[%swap3A_606, %swap3A_607, %swap3A_608] : memref<10x1x512xf32, #tpu.memory_space<vmem>>, vector<1x1x512xf32>
      %swap3A_610 = vector.shape_cast %swap3A_609 : vector<1x1x512xf32> to vector<1x512xf32>
      %swap3A_611 = vector.shape_cast %while3A_605#0 : vector<1x512xf32> to vector<1x1x512xf32>
      tpu.vector_store %arg4[%swap3A_606, %swap3A_607, %swap3A_608], %swap3A_611 {strides = array<i32>} : memref<10x1x512xf32, #tpu.memory_space<vmem>>, vector<1x1x512xf32>,
      %while3A_612 = arith.constant 0 : i32
      scf.yield %while3A_612 : i32
    }
    %get3A_44 = arith.constant 0 : index
    %get3A_45 = arith.constant 0 : index
    %get3A_46 = arith.constant 0 : index
    %get3A_47 = vector.load %arg1[%get3A_44, %get3A_45, %get3A_46] : memref<10x4x512xf32, #tpu.memory_space<vmem>>, vector<1x4x512xf32>
    %get3A_48 = vector.shape_cast %get3A_47 : vector<1x4x512xf32> to vector<4x512xf32>
    %slice3A = vector.extract_strided_slice %get3A_48 {offsets = [0, 0], sizes = [1, 512], strides = [1, 1]} : vector<4x512xf32> to vector<1x512xf32>
    %slice3A_49 = vector.extract_strided_slice %get3A_48 {offsets = [1, 0], sizes = [1, 512], strides = [1, 1]} : vector<4x512xf32> to vector<1x512xf32>
    %slice3A_50 = vector.extract_strided_slice %get3A_48 {offsets = [2, 0], sizes = [1, 512], strides = [1, 1]} : vector<4x512xf32> to vector<1x512xf32>
    %slice3A_51 = vector.extract_strided_slice %get3A_48 {offsets = [3, 0], sizes = [1, 512], strides = [1, 1]} : vector<4x512xf32> to vector<1x512xf32>
    %div3A_52 = arith.constant 2.000000e+00 : f32
    %div3A_53 = vector.broadcast %div3A_52 : f32 to vector<1x512xf32>
    %div3A_54 = arith.divf %slice3A_50, %div3A_53 : vector<1x512xf32>
    %sub3A_55 = arith.subf %slice3A, %div3A_54 : vector<1x512xf32>
    %div3A_56 = arith.constant 2.000000e+00 : f32
    %div3A_57 = vector.broadcast %div3A_56 : f32 to vector<1x512xf32>
    %div3A_58 = arith.divf %slice3A_51, %div3A_57 : vector<1x512xf32>
    %sub3A_59 = arith.subf %slice3A_49, %div3A_58 : vector<1x512xf32>
    %div3A_60 = arith.constant 2.000000e+00 : f32
    %div3A_61 = vector.broadcast %div3A_60 : f32 to vector<1x512xf32>
    %div3A_62 = arith.divf %slice3A_50, %div3A_61 : vector<1x512xf32>
    %add3A_63 = arith.addf %slice3A, %div3A_62 : vector<1x512xf32>
    %div3A_64 = arith.constant 2.000000e+00 : f32
    %div3A_65 = vector.broadcast %div3A_64 : f32 to vector<1x512xf32>
    %div3A_66 = arith.divf %slice3A_51, %div3A_65 : vector<1x512xf32>
    %add3A_67 = arith.addf %slice3A_49, %div3A_66 : vector<1x512xf32>
    %get3A_68 = arith.constant 0 : index
    %get3A_69 = arith.constant 0 : index
    %get3A_70 = arith.constant 0 : index
    %get3A_71 = vector.load %arg2[%get3A_68, %get3A_69, %get3A_70] : memref<10x1x512xf32, #tpu.memory_space<vmem>>, vector<1x1x512xf32>
    %get3A_72 = vector.shape_cast %get3A_71 : vector<1x1x512xf32> to vector<1x512xf32>
    %concatenate3A = tpu.concatenate %sub3A_55, %sub3A_59, %add3A_63, %add3A_67, %get3A_72 in 0 : vector<1x512xf32>, vector<1x512xf32>, vector<1x512xf32>, vector<1x512xf32>, vector<1x512xf32> -> vector<5x512xf32>
    %get3A_73 = arith.constant 0 : index
    %get3A_74 = arith.constant 0 : index
    %get3A_75 = arith.constant 0 : index
    %get3A_76 = vector.load %arg4[%get3A_73, %get3A_74, %get3A_75] : memref<10x1x512xf32, #tpu.memory_space<vmem>>, vector<1x1x512xf32>
    %get3A_77 = vector.shape_cast %get3A_76 : vector<1x1x512xf32> to vector<1x512xf32>
    %mul3A = vector.broadcast %get3A_77 : vector<1x512xf32> to vector<5x512xf32>
    %mul3A_78 = arith.mulf %concatenate3A, %mul3A : vector<5x512xf32>
    %swap3A_79 = arith.constant 0 : index
    %swap3A_80 = arith.constant 0 : index
    %swap3A_81 = arith.constant 0 : index
    %swap3A_82 = vector.load %arg3[%swap3A_79, %swap3A_80, %swap3A_81] : memref<10x5x512xf32, #tpu.memory_space<vmem>>, vector<1x5x512xf32>
    %swap3A_83 = vector.shape_cast %swap3A_82 : vector<1x5x512xf32> to vector<5x512xf32>
    %swap3A_84 = vector.shape_cast %mul3A_78 : vector<5x512xf32> to vector<1x5x512xf32>
    tpu.vector_store %arg3[%swap3A_79, %swap3A_80, %swap3A_81], %swap3A_84 {strides = array<i32>} : memref<10x5x512xf32, #tpu.memory_space<vmem>>, vector<1x5x512xf32>,
    %get3A_85 = arith.constant 1 : index
    %get3A_86 = arith.constant 0 : index
    %get3A_87 = arith.constant 0 : index
    %get3A_88 = vector.load %arg1[%get3A_85, %get3A_86, %get3A_87] : memref<10x4x512xf32, #tpu.memory_space<vmem>>, vector<1x4x512xf32>
    %get3A_89 = vector.shape_cast %get3A_88 : vector<1x4x512xf32> to vector<4x512xf32>
    %slice3A_90 = vector.extract_strided_slice %get3A_89 {offsets = [0, 0], sizes = [1, 512], strides = [1, 1]} : vector<4x512xf32> to vector<1x512xf32>
    %slice3A_91 = vector.extract_strided_slice %get3A_89 {offsets = [1, 0], sizes = [1, 512], strides = [1, 1]} : vector<4x512xf32> to vector<1x512xf32>
    %slice3A_92 = vector.extract_strided_slice %get3A_89 {offsets = [2, 0], sizes = [1, 512], strides = [1, 1]} : vector<4x512xf32> to vector<1x512xf32>
    %slice3A_93 = vector.extract_strided_slice %get3A_89 {offsets = [3, 0], sizes = [1, 512], strides = [1, 1]} : vector<4x512xf32> to vector<1x512xf32>
    %div3A_94 = arith.constant 2.000000e+00 : f32
    %div3A_95 = vector.broadcast %div3A_94 : f32 to vector<1x512xf32>
    %div3A_96 = arith.divf %slice3A_92, %div3A_95 : vector<1x512xf32>
    %sub3A_97 = arith.subf %slice3A_90, %div3A_96 : vector<1x512xf32>
    %div3A_98 = arith.constant 2.000000e+00 : f32
    %div3A_99 = vector.broadcast %div3A_98 : f32 to vector<1x512xf32>
    %div3A_100 = arith.divf %slice3A_93, %div3A_99 : vector<1x512xf32>
    %sub3A_101 = arith.subf %slice3A_91, %div3A_100 : vector<1x512xf32>
    %div3A_102 = arith.constant 2.000000e+00 : f32
    %div3A_103 = vector.broadcast %div3A_102 : f32 to vector<1x512xf32>
    %div3A_104 = arith.divf %slice3A_92, %div3A_103 : vector<1x512xf32>
    %add3A_105 = arith.addf %slice3A_90, %div3A_104 : vector<1x512xf32>
    %div3A_106 = arith.constant 2.000000e+00 : f32
    %div3A_107 = vector.broadcast %div3A_106 : f32 to vector<1x512xf32>
    %div3A_108 = arith.divf %slice3A_93, %div3A_107 : vector<1x512xf32>
    %add3A_109 = arith.addf %slice3A_91, %div3A_108 : vector<1x512xf32>
    %get3A_110 = arith.constant 1 : index
    %get3A_111 = arith.constant 0 : index
    %get3A_112 = arith.constant 0 : index
    %get3A_113 = vector.load %arg2[%get3A_110, %get3A_111, %get3A_112] : memref<10x1x512xf32, #tpu.memory_space<vmem>>, vector<1x1x512xf32>
    %get3A_114 = vector.shape_cast %get3A_113 : vector<1x1x512xf32> to vector<1x512xf32>
    %concatenate3A_115 = tpu.concatenate %sub3A_97, %sub3A_101, %add3A_105, %add3A_109, %get3A_114 in 0 : vector<1x512xf32>, vector<1x512xf32>, vector<1x512xf32>, vector<1x512xf32>, vector<1x512xf32> -> vector<5x512xf32>
    %get3A_116 = arith.constant 1 : index
    %get3A_117 = arith.constant 0 : index
    %get3A_118 = arith.constant 0 : index
    %get3A_119 = vector.load %arg4[%get3A_116, %get3A_117, %get3A_118] : memref<10x1x512xf32, #tpu.memory_space<vmem>>, vector<1x1x512xf32>
    %get3A_120 = vector.shape_cast %get3A_119 : vector<1x1x512xf32> to vector<1x512xf32>
    %mul3A_121 = vector.broadcast %get3A_120 : vector<1x512xf32> to vector<5x512xf32>
    %mul3A_122 = arith.mulf %concatenate3A_115, %mul3A_121 : vector<5x512xf32>
    %swap3A_123 = arith.constant 1 : index
    %swap3A_124 = arith.constant 0 : index
    %swap3A_125 = arith.constant 0 : index
    %swap3A_126 = vector.load %arg3[%swap3A_123, %swap3A_124, %swap3A_125] : memref<10x5x512xf32, #tpu.memory_space<vmem>>, vector<1x5x512xf32>
    %swap3A_127 = vector.shape_cast %swap3A_126 : vector<1x5x512xf32> to vector<5x512xf32>
    %swap3A_128 = vector.shape_cast %mul3A_122 : vector<5x512xf32> to vector<1x5x512xf32>
    tpu.vector_store %arg3[%swap3A_123, %swap3A_124, %swap3A_125], %swap3A_128 {strides = array<i32>} : memref<10x5x512xf32, #tpu.memory_space<vmem>>, vector<1x5x512xf32>,
    %get3A_129 = arith.constant 2 : index
    %get3A_130 = arith.constant 0 : index
    %get3A_131 = arith.constant 0 : index
    %get3A_132 = vector.load %arg1[%get3A_129, %get3A_130, %get3A_131] : memref<10x4x512xf32, #tpu.memory_space<vmem>>, vector<1x4x512xf32>
    %get3A_133 = vector.shape_cast %get3A_132 : vector<1x4x512xf32> to vector<4x512xf32>
    %slice3A_134 = vector.extract_strided_slice %get3A_133 {offsets = [0, 0], sizes = [1, 512], strides = [1, 1]} : vector<4x512xf32> to vector<1x512xf32>
    %slice3A_135 = vector.extract_strided_slice %get3A_133 {offsets = [1, 0], sizes = [1, 512], strides = [1, 1]} : vector<4x512xf32> to vector<1x512xf32>
    %slice3A_136 = vector.extract_strided_slice %get3A_133 {offsets = [2, 0], sizes = [1, 512], strides = [1, 1]} : vector<4x512xf32> to vector<1x512xf32>
    %slice3A_137 = vector.extract_strided_slice %get3A_133 {offsets = [3, 0], sizes = [1, 512], strides = [1, 1]} : vector<4x512xf32> to vector<1x512xf32>
    %div3A_138 = arith.constant 2.000000e+00 : f32
    %div3A_139 = vector.broadcast %div3A_138 : f32 to vector<1x512xf32>
    %div3A_140 = arith.divf %slice3A_136, %div3A_139 : vector<1x512xf32>
    %sub3A_141 = arith.subf %slice3A_134, %div3A_140 : vector<1x512xf32>
    %div3A_142 = arith.constant 2.000000e+00 : f32
    %div3A_143 = vector.broadcast %div3A_142 : f32 to vector<1x512xf32>
    %div3A_144 = arith.divf %slice3A_137, %div3A_143 : vector<1x512xf32>
    %sub3A_145 = arith.subf %slice3A_135, %div3A_144 : vector<1x512xf32>
    %div3A_146 = arith.constant 2.000000e+00 : f32
    %div3A_147 = vector.broadcast %div3A_146 : f32 to vector<1x512xf32>
    %div3A_148 = arith.divf %slice3A_136, %div3A_147 : vector<1x512xf32>
    %add3A_149 = arith.addf %slice3A_134, %div3A_148 : vector<1x512xf32>
    %div3A_150 = arith.constant 2.000000e+00 : f32
    %div3A_151 = vector.broadcast %div3A_150 : f32 to vector<1x512xf32>
    %div3A_152 = arith.divf %slice3A_137, %div3A_151 : vector<1x512xf32>
    %add3A_153 = arith.addf %slice3A_135, %div3A_152 : vector<1x512xf32>
    %get3A_154 = arith.constant 2 : index
    %get3A_155 = arith.constant 0 : index
    %get3A_156 = arith.constant 0 : index
    %get3A_157 = vector.load %arg2[%get3A_154, %get3A_155, %get3A_156] : memref<10x1x512xf32, #tpu.memory_space<vmem>>, vector<1x1x512xf32>
    %get3A_158 = vector.shape_cast %get3A_157 : vector<1x1x512xf32> to vector<1x512xf32>
    %concatenate3A_159 = tpu.concatenate %sub3A_141, %sub3A_145, %add3A_149, %add3A_153, %get3A_158 in 0 : vector<1x512xf32>, vector<1x512xf32>, vector<1x512xf32>, vector<1x512xf32>, vector<1x512xf32> -> vector<5x512xf32>
    %get3A_160 = arith.constant 2 : index
    %get3A_161 = arith.constant 0 : index
    %get3A_162 = arith.constant 0 : index
    %get3A_163 = vector.load %arg4[%get3A_160, %get3A_161, %get3A_162] : memref<10x1x512xf32, #tpu.memory_space<vmem>>, vector<1x1x512xf32>
    %get3A_164 = vector.shape_cast %get3A_163 : vector<1x1x512xf32> to vector<1x512xf32>
    %mul3A_165 = vector.broadcast %get3A_164 : vector<1x512xf32> to vector<5x512xf32>
    %mul3A_166 = arith.mulf %concatenate3A_159, %mul3A_165 : vector<5x512xf32>
    %swap3A_167 = arith.constant 2 : index
    %swap3A_168 = arith.constant 0 : index
    %swap3A_169 = arith.constant 0 : index
    %swap3A_170 = vector.load %arg3[%swap3A_167, %swap3A_168, %swap3A_169] : memref<10x5x512xf32, #tpu.memory_space<vmem>>, vector<1x5x512xf32>
    %swap3A_171 = vector.shape_cast %swap3A_170 : vector<1x5x512xf32> to vector<5x512xf32>
    %swap3A_172 = vector.shape_cast %mul3A_166 : vector<5x512xf32> to vector<1x5x512xf32>
    tpu.vector_store %arg3[%swap3A_167, %swap3A_168, %swap3A_169], %swap3A_172 {strides = array<i32>} : memref<10x5x512xf32, #tpu.memory_space<vmem>>, vector<1x5x512xf32>,
    %get3A_173 = arith.constant 3 : index
    %get3A_174 = arith.constant 0 : index
    %get3A_175 = arith.constant 0 : index
    %get3A_176 = vector.load %arg1[%get3A_173, %get3A_174, %get3A_175] : memref<10x4x512xf32, #tpu.memory_space<vmem>>, vector<1x4x512xf32>
    %get3A_177 = vector.shape_cast %get3A_176 : vector<1x4x512xf32> to vector<4x512xf32>
    %slice3A_178 = vector.extract_strided_slice %get3A_177 {offsets = [0, 0], sizes = [1, 512], strides = [1, 1]} : vector<4x512xf32> to vector<1x512xf32>
    %slice3A_179 = vector.extract_strided_slice %get3A_177 {offsets = [1, 0], sizes = [1, 512], strides = [1, 1]} : vector<4x512xf32> to vector<1x512xf32>
    %slice3A_180 = vector.extract_strided_slice %get3A_177 {offsets = [2, 0], sizes = [1, 512], strides = [1, 1]} : vector<4x512xf32> to vector<1x512xf32>
    %slice3A_181 = vector.extract_strided_slice %get3A_177 {offsets = [3, 0], sizes = [1, 512], strides = [1, 1]} : vector<4x512xf32> to vector<1x512xf32>
    %div3A_182 = arith.constant 2.000000e+00 : f32
    %div3A_183 = vector.broadcast %div3A_182 : f32 to vector<1x512xf32>
    %div3A_184 = arith.divf %slice3A_180, %div3A_183 : vector<1x512xf32>
    %sub3A_185 = arith.subf %slice3A_178, %div3A_184 : vector<1x512xf32>
    %div3A_186 = arith.constant 2.000000e+00 : f32
    %div3A_187 = vector.broadcast %div3A_186 : f32 to vector<1x512xf32>
    %div3A_188 = arith.divf %slice3A_181, %div3A_187 : vector<1x512xf32>
    %sub3A_189 = arith.subf %slice3A_179, %div3A_188 : vector<1x512xf32>
    %div3A_190 = arith.constant 2.000000e+00 : f32
    %div3A_191 = vector.broadcast %div3A_190 : f32 to vector<1x512xf32>
    %div3A_192 = arith.divf %slice3A_180, %div3A_191 : vector<1x512xf32>
    %add3A_193 = arith.addf %slice3A_178, %div3A_192 : vector<1x512xf32>
    %div3A_194 = arith.constant 2.000000e+00 : f32
    %div3A_195 = vector.broadcast %div3A_194 : f32 to vector<1x512xf32>
    %div3A_196 = arith.divf %slice3A_181, %div3A_195 : vector<1x512xf32>
    %add3A_197 = arith.addf %slice3A_179, %div3A_196 : vector<1x512xf32>
    %get3A_198 = arith.constant 3 : index
    %get3A_199 = arith.constant 0 : index
    %get3A_200 = arith.constant 0 : index
    %get3A_201 = vector.load %arg2[%get3A_198, %get3A_199, %get3A_200] : memref<10x1x512xf32, #tpu.memory_space<vmem>>, vector<1x1x512xf32>
    %get3A_202 = vector.shape_cast %get3A_201 : vector<1x1x512xf32> to vector<1x512xf32>
    %concatenate3A_203 = tpu.concatenate %sub3A_185, %sub3A_189, %add3A_193, %add3A_197, %get3A_202 in 0 : vector<1x512xf32>, vector<1x512xf32>, vector<1x512xf32>, vector<1x512xf32>, vector<1x512xf32> -> vector<5x512xf32>
    %get3A_204 = arith.constant 3 : index
    %get3A_205 = arith.constant 0 : index
    %get3A_206 = arith.constant 0 : index
    %get3A_207 = vector.load %arg4[%get3A_204, %get3A_205, %get3A_206] : memref<10x1x512xf32, #tpu.memory_space<vmem>>, vector<1x1x512xf32>
    %get3A_208 = vector.shape_cast %get3A_207 : vector<1x1x512xf32> to vector<1x512xf32>
    %mul3A_209 = vector.broadcast %get3A_208 : vector<1x512xf32> to vector<5x512xf32>
    %mul3A_210 = arith.mulf %concatenate3A_203, %mul3A_209 : vector<5x512xf32>
    %swap3A_211 = arith.constant 3 : index
    %swap3A_212 = arith.constant 0 : index
    %swap3A_213 = arith.constant 0 : index
    %swap3A_214 = vector.load %arg3[%swap3A_211, %swap3A_212, %swap3A_213] : memref<10x5x512xf32, #tpu.memory_space<vmem>>, vector<1x5x512xf32>
    %swap3A_215 = vector.shape_cast %swap3A_214 : vector<1x5x512xf32> to vector<5x512xf32>
    %swap3A_216 = vector.shape_cast %mul3A_210 : vector<5x512xf32> to vector<1x5x512xf32>
    tpu.vector_store %arg3[%swap3A_211, %swap3A_212, %swap3A_213], %swap3A_216 {strides = array<i32>} : memref<10x5x512xf32, #tpu.memory_space<vmem>>, vector<1x5x512xf32>,
    %get3A_217 = arith.constant 4 : index
    %get3A_218 = arith.constant 0 : index
    %get3A_219 = arith.constant 0 : index
    %get3A_220 = vector.load %arg1[%get3A_217, %get3A_218, %get3A_219] : memref<10x4x512xf32, #tpu.memory_space<vmem>>, vector<1x4x512xf32>
    %get3A_221 = vector.shape_cast %get3A_220 : vector<1x4x512xf32> to vector<4x512xf32>
    %slice3A_222 = vector.extract_strided_slice %get3A_221 {offsets = [0, 0], sizes = [1, 512], strides = [1, 1]} : vector<4x512xf32> to vector<1x512xf32>
    %slice3A_223 = vector.extract_strided_slice %get3A_221 {offsets = [1, 0], sizes = [1, 512], strides = [1, 1]} : vector<4x512xf32> to vector<1x512xf32>
    %slice3A_224 = vector.extract_strided_slice %get3A_221 {offsets = [2, 0], sizes = [1, 512], strides = [1, 1]} : vector<4x512xf32> to vector<1x512xf32>
    %slice3A_225 = vector.extract_strided_slice %get3A_221 {offsets = [3, 0], sizes = [1, 512], strides = [1, 1]} : vector<4x512xf32> to vector<1x512xf32>
    %div3A_226 = arith.constant 2.000000e+00 : f32
    %div3A_227 = vector.broadcast %div3A_226 : f32 to vector<1x512xf32>
    %div3A_228 = arith.divf %slice3A_224, %div3A_227 : vector<1x512xf32>
    %sub3A_229 = arith.subf %slice3A_222, %div3A_228 : vector<1x512xf32>
    %div3A_230 = arith.constant 2.000000e+00 : f32
    %div3A_231 = vector.broadcast %div3A_230 : f32 to vector<1x512xf32>
    %div3A_232 = arith.divf %slice3A_225, %div3A_231 : vector<1x512xf32>
    %sub3A_233 = arith.subf %slice3A_223, %div3A_232 : vector<1x512xf32>
    %div3A_234 = arith.constant 2.000000e+00 : f32
    %div3A_235 = vector.broadcast %div3A_234 : f32 to vector<1x512xf32>
    %div3A_236 = arith.divf %slice3A_224, %div3A_235 : vector<1x512xf32>
    %add3A_237 = arith.addf %slice3A_222, %div3A_236 : vector<1x512xf32>
    %div3A_238 = arith.constant 2.000000e+00 : f32
    %div3A_239 = vector.broadcast %div3A_238 : f32 to vector<1x512xf32>
    %div3A_240 = arith.divf %slice3A_225, %div3A_239 : vector<1x512xf32>
    %add3A_241 = arith.addf %slice3A_223, %div3A_240 : vector<1x512xf32>
    %get3A_242 = arith.constant 4 : index
    %get3A_243 = arith.constant 0 : index
    %get3A_244 = arith.constant 0 : index
    %get3A_245 = vector.load %arg2[%get3A_242, %get3A_243, %get3A_244] : memref<10x1x512xf32, #tpu.memory_space<vmem>>, vector<1x1x512xf32>
    %get3A_246 = vector.shape_cast %get3A_245 : vector<1x1x512xf32> to vector<1x512xf32>
    %concatenate3A_247 = tpu.concatenate %sub3A_229, %sub3A_233, %add3A_237, %add3A_241, %get3A_246 in 0 : vector<1x512xf32>, vector<1x512xf32>, vector<1x512xf32>, vector<1x512xf32>, vector<1x512xf32> -> vector<5x512xf32>
    %get3A_248 = arith.constant 4 : index
    %get3A_249 = arith.constant 0 : index
    %get3A_250 = arith.constant 0 : index
    %get3A_251 = vector.load %arg4[%get3A_248, %get3A_249, %get3A_250] : memref<10x1x512xf32, #tpu.memory_space<vmem>>, vector<1x1x512xf32>
    %get3A_252 = vector.shape_cast %get3A_251 : vector<1x1x512xf32> to vector<1x512xf32>
    %mul3A_253 = vector.broadcast %get3A_252 : vector<1x512xf32> to vector<5x512xf32>
    %mul3A_254 = arith.mulf %concatenate3A_247, %mul3A_253 : vector<5x512xf32>
    %swap3A_255 = arith.constant 4 : index
    %swap3A_256 = arith.constant 0 : index
    %swap3A_257 = arith.constant 0 : index
    %swap3A_258 = vector.load %arg3[%swap3A_255, %swap3A_256, %swap3A_257] : memref<10x5x512xf32, #tpu.memory_space<vmem>>, vector<1x5x512xf32>
    %swap3A_259 = vector.shape_cast %swap3A_258 : vector<1x5x512xf32> to vector<5x512xf32>
    %swap3A_260 = vector.shape_cast %mul3A_254 : vector<5x512xf32> to vector<1x5x512xf32>
    tpu.vector_store %arg3[%swap3A_255, %swap3A_256, %swap3A_257], %swap3A_260 {strides = array<i32>} : memref<10x5x512xf32, #tpu.memory_space<vmem>>, vector<1x5x512xf32>,
    %get3A_261 = arith.constant 5 : index
    %get3A_262 = arith.constant 0 : index
    %get3A_263 = arith.constant 0 : index
    %get3A_264 = vector.load %arg1[%get3A_261, %get3A_262, %get3A_263] : memref<10x4x512xf32, #tpu.memory_space<vmem>>, vector<1x4x512xf32>
    %get3A_265 = vector.shape_cast %get3A_264 : vector<1x4x512xf32> to vector<4x512xf32>
    %slice3A_266 = vector.extract_strided_slice %get3A_265 {offsets = [0, 0], sizes = [1, 512], strides = [1, 1]} : vector<4x512xf32> to vector<1x512xf32>
    %slice3A_267 = vector.extract_strided_slice %get3A_265 {offsets = [1, 0], sizes = [1, 512], strides = [1, 1]} : vector<4x512xf32> to vector<1x512xf32>
    %slice3A_268 = vector.extract_strided_slice %get3A_265 {offsets = [2, 0], sizes = [1, 512], strides = [1, 1]} : vector<4x512xf32> to vector<1x512xf32>
    %slice3A_269 = vector.extract_strided_slice %get3A_265 {offsets = [3, 0], sizes = [1, 512], strides = [1, 1]} : vector<4x512xf32> to vector<1x512xf32>
    %div3A_270 = arith.constant 2.000000e+00 : f32
    %div3A_271 = vector.broadcast %div3A_270 : f32 to vector<1x512xf32>
    %div3A_272 = arith.divf %slice3A_268, %div3A_271 : vector<1x512xf32>
    %sub3A_273 = arith.subf %slice3A_266, %div3A_272 : vector<1x512xf32>
    %div3A_274 = arith.constant 2.000000e+00 : f32
    %div3A_275 = vector.broadcast %div3A_274 : f32 to vector<1x512xf32>
    %div3A_276 = arith.divf %slice3A_269, %div3A_275 : vector<1x512xf32>
    %sub3A_277 = arith.subf %slice3A_267, %div3A_276 : vector<1x512xf32>
    %div3A_278 = arith.constant 2.000000e+00 : f32
    %div3A_279 = vector.broadcast %div3A_278 : f32 to vector<1x512xf32>
    %div3A_280 = arith.divf %slice3A_268, %div3A_279 : vector<1x512xf32>
    %add3A_281 = arith.addf %slice3A_266, %div3A_280 : vector<1x512xf32>
    %div3A_282 = arith.constant 2.000000e+00 : f32
    %div3A_283 = vector.broadcast %div3A_282 : f32 to vector<1x512xf32>
    %div3A_284 = arith.divf %slice3A_269, %div3A_283 : vector<1x512xf32>
    %add3A_285 = arith.addf %slice3A_267, %div3A_284 : vector<1x512xf32>
    %get3A_286 = arith.constant 5 : index
    %get3A_287 = arith.constant 0 : index
    %get3A_288 = arith.constant 0 : index
    %get3A_289 = vector.load %arg2[%get3A_286, %get3A_287, %get3A_288] : memref<10x1x512xf32, #tpu.memory_space<vmem>>, vector<1x1x512xf32>
    %get3A_290 = vector.shape_cast %get3A_289 : vector<1x1x512xf32> to vector<1x512xf32>
    %concatenate3A_291 = tpu.concatenate %sub3A_273, %sub3A_277, %add3A_281, %add3A_285, %get3A_290 in 0 : vector<1x512xf32>, vector<1x512xf32>, vector<1x512xf32>, vector<1x512xf32>, vector<1x512xf32> -> vector<5x512xf32>
    %get3A_292 = arith.constant 5 : index
    %get3A_293 = arith.constant 0 : index
    %get3A_294 = arith.constant 0 : index
    %get3A_295 = vector.load %arg4[%get3A_292, %get3A_293, %get3A_294] : memref<10x1x512xf32, #tpu.memory_space<vmem>>, vector<1x1x512xf32>
    %get3A_296 = vector.shape_cast %get3A_295 : vector<1x1x512xf32> to vector<1x512xf32>
    %mul3A_297 = vector.broadcast %get3A_296 : vector<1x512xf32> to vector<5x512xf32>
    %mul3A_298 = arith.mulf %concatenate3A_291, %mul3A_297 : vector<5x512xf32>
    %swap3A_299 = arith.constant 5 : index
    %swap3A_300 = arith.constant 0 : index
    %swap3A_301 = arith.constant 0 : index
    %swap3A_302 = vector.load %arg3[%swap3A_299, %swap3A_300, %swap3A_301] : memref<10x5x512xf32, #tpu.memory_space<vmem>>, vector<1x5x512xf32>
    %swap3A_303 = vector.shape_cast %swap3A_302 : vector<1x5x512xf32> to vector<5x512xf32>
    %swap3A_304 = vector.shape_cast %mul3A_298 : vector<5x512xf32> to vector<1x5x512xf32>
    tpu.vector_store %arg3[%swap3A_299, %swap3A_300, %swap3A_301], %swap3A_304 {strides = array<i32>} : memref<10x5x512xf32, #tpu.memory_space<vmem>>, vector<1x5x512xf32>,
    %get3A_305 = arith.constant 6 : index
    %get3A_306 = arith.constant 0 : index
    %get3A_307 = arith.constant 0 : index
    %get3A_308 = vector.load %arg1[%get3A_305, %get3A_306, %get3A_307] : memref<10x4x512xf32, #tpu.memory_space<vmem>>, vector<1x4x512xf32>
    %get3A_309 = vector.shape_cast %get3A_308 : vector<1x4x512xf32> to vector<4x512xf32>
    %slice3A_310 = vector.extract_strided_slice %get3A_309 {offsets = [0, 0], sizes = [1, 512], strides = [1, 1]} : vector<4x512xf32> to vector<1x512xf32>
    %slice3A_311 = vector.extract_strided_slice %get3A_309 {offsets = [1, 0], sizes = [1, 512], strides = [1, 1]} : vector<4x512xf32> to vector<1x512xf32>
    %slice3A_312 = vector.extract_strided_slice %get3A_309 {offsets = [2, 0], sizes = [1, 512], strides = [1, 1]} : vector<4x512xf32> to vector<1x512xf32>
    %slice3A_313 = vector.extract_strided_slice %get3A_309 {offsets = [3, 0], sizes = [1, 512], strides = [1, 1]} : vector<4x512xf32> to vector<1x512xf32>
    %div3A_314 = arith.constant 2.000000e+00 : f32
    %div3A_315 = vector.broadcast %div3A_314 : f32 to vector<1x512xf32>
    %div3A_316 = arith.divf %slice3A_312, %div3A_315 : vector<1x512xf32>
    %sub3A_317 = arith.subf %slice3A_310, %div3A_316 : vector<1x512xf32>
    %div3A_318 = arith.constant 2.000000e+00 : f32
    %div3A_319 = vector.broadcast %div3A_318 : f32 to vector<1x512xf32>
    %div3A_320 = arith.divf %slice3A_313, %div3A_319 : vector<1x512xf32>
    %sub3A_321 = arith.subf %slice3A_311, %div3A_320 : vector<1x512xf32>
    %div3A_322 = arith.constant 2.000000e+00 : f32
    %div3A_323 = vector.broadcast %div3A_322 : f32 to vector<1x512xf32>
    %div3A_324 = arith.divf %slice3A_312, %div3A_323 : vector<1x512xf32>
    %add3A_325 = arith.addf %slice3A_310, %div3A_324 : vector<1x512xf32>
    %div3A_326 = arith.constant 2.000000e+00 : f32
    %div3A_327 = vector.broadcast %div3A_326 : f32 to vector<1x512xf32>
    %div3A_328 = arith.divf %slice3A_313, %div3A_327 : vector<1x512xf32>
    %add3A_329 = arith.addf %slice3A_311, %div3A_328 : vector<1x512xf32>
    %get3A_330 = arith.constant 6 : index
    %get3A_331 = arith.constant 0 : index
    %get3A_332 = arith.constant 0 : index
    %get3A_333 = vector.load %arg2[%get3A_330, %get3A_331, %get3A_332] : memref<10x1x512xf32, #tpu.memory_space<vmem>>, vector<1x1x512xf32>
    %get3A_334 = vector.shape_cast %get3A_333 : vector<1x1x512xf32> to vector<1x512xf32>
    %concatenate3A_335 = tpu.concatenate %sub3A_317, %sub3A_321, %add3A_325, %add3A_329, %get3A_334 in 0 : vector<1x512xf32>, vector<1x512xf32>, vector<1x512xf32>, vector<1x512xf32>, vector<1x512xf32> -> vector<5x512xf32>
    %get3A_336 = arith.constant 6 : index
    %get3A_337 = arith.constant 0 : index
    %get3A_338 = arith.constant 0 : index
    %get3A_339 = vector.load %arg4[%get3A_336, %get3A_337, %get3A_338] : memref<10x1x512xf32, #tpu.memory_space<vmem>>, vector<1x1x512xf32>
    %get3A_340 = vector.shape_cast %get3A_339 : vector<1x1x512xf32> to vector<1x512xf32>
    %mul3A_341 = vector.broadcast %get3A_340 : vector<1x512xf32> to vector<5x512xf32>
    %mul3A_342 = arith.mulf %concatenate3A_335, %mul3A_341 : vector<5x512xf32>
    %swap3A_343 = arith.constant 6 : index
    %swap3A_344 = arith.constant 0 : index
    %swap3A_345 = arith.constant 0 : index
    %swap3A_346 = vector.load %arg3[%swap3A_343, %swap3A_344, %swap3A_345] : memref<10x5x512xf32, #tpu.memory_space<vmem>>, vector<1x5x512xf32>
    %swap3A_347 = vector.shape_cast %swap3A_346 : vector<1x5x512xf32> to vector<5x512xf32>
    %swap3A_348 = vector.shape_cast %mul3A_342 : vector<5x512xf32> to vector<1x5x512xf32>
    tpu.vector_store %arg3[%swap3A_343, %swap3A_344, %swap3A_345], %swap3A_348 {strides = array<i32>} : memref<10x5x512xf32, #tpu.memory_space<vmem>>, vector<1x5x512xf32>,
    %get3A_349 = arith.constant 7 : index
    %get3A_350 = arith.constant 0 : index
    %get3A_351 = arith.constant 0 : index
    %get3A_352 = vector.load %arg1[%get3A_349, %get3A_350, %get3A_351] : memref<10x4x512xf32, #tpu.memory_space<vmem>>, vector<1x4x512xf32>
    %get3A_353 = vector.shape_cast %get3A_352 : vector<1x4x512xf32> to vector<4x512xf32>
    %slice3A_354 = vector.extract_strided_slice %get3A_353 {offsets = [0, 0], sizes = [1, 512], strides = [1, 1]} : vector<4x512xf32> to vector<1x512xf32>
    %slice3A_355 = vector.extract_strided_slice %get3A_353 {offsets = [1, 0], sizes = [1, 512], strides = [1, 1]} : vector<4x512xf32> to vector<1x512xf32>
    %slice3A_356 = vector.extract_strided_slice %get3A_353 {offsets = [2, 0], sizes = [1, 512], strides = [1, 1]} : vector<4x512xf32> to vector<1x512xf32>
    %slice3A_357 = vector.extract_strided_slice %get3A_353 {offsets = [3, 0], sizes = [1, 512], strides = [1, 1]} : vector<4x512xf32> to vector<1x512xf32>
    %div3A_358 = arith.constant 2.000000e+00 : f32
    %div3A_359 = vector.broadcast %div3A_358 : f32 to vector<1x512xf32>
    %div3A_360 = arith.divf %slice3A_356, %div3A_359 : vector<1x512xf32>
    %sub3A_361 = arith.subf %slice3A_354, %div3A_360 : vector<1x512xf32>
    %div3A_362 = arith.constant 2.000000e+00 : f32
    %div3A_363 = vector.broadcast %div3A_362 : f32 to vector<1x512xf32>
    %div3A_364 = arith.divf %slice3A_357, %div3A_363 : vector<1x512xf32>
    %sub3A_365 = arith.subf %slice3A_355, %div3A_364 : vector<1x512xf32>
    %div3A_366 = arith.constant 2.000000e+00 : f32
    %div3A_367 = vector.broadcast %div3A_366 : f32 to vector<1x512xf32>
    %div3A_368 = arith.divf %slice3A_356, %div3A_367 : vector<1x512xf32>
    %add3A_369 = arith.addf %slice3A_354, %div3A_368 : vector<1x512xf32>
    %div3A_370 = arith.constant 2.000000e+00 : f32
    %div3A_371 = vector.broadcast %div3A_370 : f32 to vector<1x512xf32>
    %div3A_372 = arith.divf %slice3A_357, %div3A_371 : vector<1x512xf32>
    %add3A_373 = arith.addf %slice3A_355, %div3A_372 : vector<1x512xf32>
    %get3A_374 = arith.constant 7 : index
    %get3A_375 = arith.constant 0 : index
    %get3A_376 = arith.constant 0 : index
    %get3A_377 = vector.load %arg2[%get3A_374, %get3A_375, %get3A_376] : memref<10x1x512xf32, #tpu.memory_space<vmem>>, vector<1x1x512xf32>
    %get3A_378 = vector.shape_cast %get3A_377 : vector<1x1x512xf32> to vector<1x512xf32>
    %concatenate3A_379 = tpu.concatenate %sub3A_361, %sub3A_365, %add3A_369, %add3A_373, %get3A_378 in 0 : vector<1x512xf32>, vector<1x512xf32>, vector<1x512xf32>, vector<1x512xf32>, vector<1x512xf32> -> vector<5x512xf32>
    %get3A_380 = arith.constant 7 : index
    %get3A_381 = arith.constant 0 : index
    %get3A_382 = arith.constant 0 : index
    %get3A_383 = vector.load %arg4[%get3A_380, %get3A_381, %get3A_382] : memref<10x1x512xf32, #tpu.memory_space<vmem>>, vector<1x1x512xf32>
    %get3A_384 = vector.shape_cast %get3A_383 : vector<1x1x512xf32> to vector<1x512xf32>
    %mul3A_385 = vector.broadcast %get3A_384 : vector<1x512xf32> to vector<5x512xf32>
    %mul3A_386 = arith.mulf %concatenate3A_379, %mul3A_385 : vector<5x512xf32>
    %swap3A_387 = arith.constant 7 : index
    %swap3A_388 = arith.constant 0 : index
    %swap3A_389 = arith.constant 0 : index
    %swap3A_390 = vector.load %arg3[%swap3A_387, %swap3A_388, %swap3A_389] : memref<10x5x512xf32, #tpu.memory_space<vmem>>, vector<1x5x512xf32>
    %swap3A_391 = vector.shape_cast %swap3A_390 : vector<1x5x512xf32> to vector<5x512xf32>
    %swap3A_392 = vector.shape_cast %mul3A_386 : vector<5x512xf32> to vector<1x5x512xf32>
    tpu.vector_store %arg3[%swap3A_387, %swap3A_388, %swap3A_389], %swap3A_392 {strides = array<i32>} : memref<10x5x512xf32, #tpu.memory_space<vmem>>, vector<1x5x512xf32>,
    %get3A_393 = arith.constant 8 : index
    %get3A_394 = arith.constant 0 : index
    %get3A_395 = arith.constant 0 : index
    %get3A_396 = vector.load %arg1[%get3A_393, %get3A_394, %get3A_395] : memref<10x4x512xf32, #tpu.memory_space<vmem>>, vector<1x4x512xf32>
    %get3A_397 = vector.shape_cast %get3A_396 : vector<1x4x512xf32> to vector<4x512xf32>
    %slice3A_398 = vector.extract_strided_slice %get3A_397 {offsets = [0, 0], sizes = [1, 512], strides = [1, 1]} : vector<4x512xf32> to vector<1x512xf32>
    %slice3A_399 = vector.extract_strided_slice %get3A_397 {offsets = [1, 0], sizes = [1, 512], strides = [1, 1]} : vector<4x512xf32> to vector<1x512xf32>
    %slice3A_400 = vector.extract_strided_slice %get3A_397 {offsets = [2, 0], sizes = [1, 512], strides = [1, 1]} : vector<4x512xf32> to vector<1x512xf32>
    %slice3A_401 = vector.extract_strided_slice %get3A_397 {offsets = [3, 0], sizes = [1, 512], strides = [1, 1]} : vector<4x512xf32> to vector<1x512xf32>
    %div3A_402 = arith.constant 2.000000e+00 : f32
    %div3A_403 = vector.broadcast %div3A_402 : f32 to vector<1x512xf32>
    %div3A_404 = arith.divf %slice3A_400, %div3A_403 : vector<1x512xf32>
    %sub3A_405 = arith.subf %slice3A_398, %div3A_404 : vector<1x512xf32>
    %div3A_406 = arith.constant 2.000000e+00 : f32
    %div3A_407 = vector.broadcast %div3A_406 : f32 to vector<1x512xf32>
    %div3A_408 = arith.divf %slice3A_401, %div3A_407 : vector<1x512xf32>
    %sub3A_409 = arith.subf %slice3A_399, %div3A_408 : vector<1x512xf32>
    %div3A_410 = arith.constant 2.000000e+00 : f32
    %div3A_411 = vector.broadcast %div3A_410 : f32 to vector<1x512xf32>
    %div3A_412 = arith.divf %slice3A_400, %div3A_411 : vector<1x512xf32>
    %add3A_413 = arith.addf %slice3A_398, %div3A_412 : vector<1x512xf32>
    %div3A_414 = arith.constant 2.000000e+00 : f32
    %div3A_415 = vector.broadcast %div3A_414 : f32 to vector<1x512xf32>
    %div3A_416 = arith.divf %slice3A_401, %div3A_415 : vector<1x512xf32>
    %add3A_417 = arith.addf %slice3A_399, %div3A_416 : vector<1x512xf32>
    %get3A_418 = arith.constant 8 : index
    %get3A_419 = arith.constant 0 : index
    %get3A_420 = arith.constant 0 : index
    %get3A_421 = vector.load %arg2[%get3A_418, %get3A_419, %get3A_420] : memref<10x1x512xf32, #tpu.memory_space<vmem>>, vector<1x1x512xf32>
    %get3A_422 = vector.shape_cast %get3A_421 : vector<1x1x512xf32> to vector<1x512xf32>
    %concatenate3A_423 = tpu.concatenate %sub3A_405, %sub3A_409, %add3A_413, %add3A_417, %get3A_422 in 0 : vector<1x512xf32>, vector<1x512xf32>, vector<1x512xf32>, vector<1x512xf32>, vector<1x512xf32> -> vector<5x512xf32>
    %get3A_424 = arith.constant 8 : index
    %get3A_425 = arith.constant 0 : index
    %get3A_426 = arith.constant 0 : index
    %get3A_427 = vector.load %arg4[%get3A_424, %get3A_425, %get3A_426] : memref<10x1x512xf32, #tpu.memory_space<vmem>>, vector<1x1x512xf32>
    %get3A_428 = vector.shape_cast %get3A_427 : vector<1x1x512xf32> to vector<1x512xf32>
    %mul3A_429 = vector.broadcast %get3A_428 : vector<1x512xf32> to vector<5x512xf32>
    %mul3A_430 = arith.mulf %concatenate3A_423, %mul3A_429 : vector<5x512xf32>
    %swap3A_431 = arith.constant 8 : index
    %swap3A_432 = arith.constant 0 : index
    %swap3A_433 = arith.constant 0 : index
    %swap3A_434 = vector.load %arg3[%swap3A_431, %swap3A_432, %swap3A_433] : memref<10x5x512xf32, #tpu.memory_space<vmem>>, vector<1x5x512xf32>
    %swap3A_435 = vector.shape_cast %swap3A_434 : vector<1x5x512xf32> to vector<5x512xf32>
    %swap3A_436 = vector.shape_cast %mul3A_430 : vector<5x512xf32> to vector<1x5x512xf32>
    tpu.vector_store %arg3[%swap3A_431, %swap3A_432, %swap3A_433], %swap3A_436 {strides = array<i32>} : memref<10x5x512xf32, #tpu.memory_space<vmem>>, vector<1x5x512xf32>,
    %get3A_437 = arith.constant 9 : index
    %get3A_438 = arith.constant 0 : index
    %get3A_439 = arith.constant 0 : index
    %get3A_440 = vector.load %arg1[%get3A_437, %get3A_438, %get3A_439] : memref<10x4x512xf32, #tpu.memory_space<vmem>>, vector<1x4x512xf32>
    %get3A_441 = vector.shape_cast %get3A_440 : vector<1x4x512xf32> to vector<4x512xf32>
    %slice3A_442 = vector.extract_strided_slice %get3A_441 {offsets = [0, 0], sizes = [1, 512], strides = [1, 1]} : vector<4x512xf32> to vector<1x512xf32>
    %slice3A_443 = vector.extract_strided_slice %get3A_441 {offsets = [1, 0], sizes = [1, 512], strides = [1, 1]} : vector<4x512xf32> to vector<1x512xf32>
    %slice3A_444 = vector.extract_strided_slice %get3A_441 {offsets = [2, 0], sizes = [1, 512], strides = [1, 1]} : vector<4x512xf32> to vector<1x512xf32>
    %slice3A_445 = vector.extract_strided_slice %get3A_441 {offsets = [3, 0], sizes = [1, 512], strides = [1, 1]} : vector<4x512xf32> to vector<1x512xf32>
    %div3A_446 = arith.constant 2.000000e+00 : f32
    %div3A_447 = vector.broadcast %div3A_446 : f32 to vector<1x512xf32>
    %div3A_448 = arith.divf %slice3A_444, %div3A_447 : vector<1x512xf32>
    %sub3A_449 = arith.subf %slice3A_442, %div3A_448 : vector<1x512xf32>
    %div3A_450 = arith.constant 2.000000e+00 : f32
    %div3A_451 = vector.broadcast %div3A_450 : f32 to vector<1x512xf32>
    %div3A_452 = arith.divf %slice3A_445, %div3A_451 : vector<1x512xf32>
    %sub3A_453 = arith.subf %slice3A_443, %div3A_452 : vector<1x512xf32>
    %div3A_454 = arith.constant 2.000000e+00 : f32
    %div3A_455 = vector.broadcast %div3A_454 : f32 to vector<1x512xf32>
    %div3A_456 = arith.divf %slice3A_444, %div3A_455 : vector<1x512xf32>
    %add3A_457 = arith.addf %slice3A_442, %div3A_456 : vector<1x512xf32>
    %div3A_458 = arith.constant 2.000000e+00 : f32
    %div3A_459 = vector.broadcast %div3A_458 : f32 to vector<1x512xf32>
    %div3A_460 = arith.divf %slice3A_445, %div3A_459 : vector<1x512xf32>
    %add3A_461 = arith.addf %slice3A_443, %div3A_460 : vector<1x512xf32>
    %get3A_462 = arith.constant 9 : index
    %get3A_463 = arith.constant 0 : index
    %get3A_464 = arith.constant 0 : index
    %get3A_465 = vector.load %arg2[%get3A_462, %get3A_463, %get3A_464] : memref<10x1x512xf32, #tpu.memory_space<vmem>>, vector<1x1x512xf32>
    %get3A_466 = vector.shape_cast %get3A_465 : vector<1x1x512xf32> to vector<1x512xf32>
    %concatenate3A_467 = tpu.concatenate %sub3A_449, %sub3A_453, %add3A_457, %add3A_461, %get3A_466 in 0 : vector<1x512xf32>, vector<1x512xf32>, vector<1x512xf32>, vector<1x512xf32>, vector<1x512xf32> -> vector<5x512xf32>
    %get3A_468 = arith.constant 9 : index
    %get3A_469 = arith.constant 0 : index
    %get3A_470 = arith.constant 0 : index
    %get3A_471 = vector.load %arg4[%get3A_468, %get3A_469, %get3A_470] : memref<10x1x512xf32, #tpu.memory_space<vmem>>, vector<1x1x512xf32>
    %get3A_472 = vector.shape_cast %get3A_471 : vector<1x1x512xf32> to vector<1x512xf32>
    %mul3A_473 = vector.broadcast %get3A_472 : vector<1x512xf32> to vector<5x512xf32>
    %mul3A_474 = arith.mulf %concatenate3A_467, %mul3A_473 : vector<5x512xf32>
    %swap3A_475 = arith.constant 9 : index
    %swap3A_476 = arith.constant 0 : index
    %swap3A_477 = arith.constant 0 : index
    %swap3A_478 = vector.load %arg3[%swap3A_475, %swap3A_476, %swap3A_477] : memref<10x5x512xf32, #tpu.memory_space<vmem>>, vector<1x5x512xf32>
    %swap3A_479 = vector.shape_cast %swap3A_478 : vector<1x5x512xf32> to vector<5x512xf32>
    %swap3A_480 = vector.shape_cast %mul3A_474 : vector<5x512xf32> to vector<1x5x512xf32>
    tpu.vector_store %arg3[%swap3A_475, %swap3A_476, %swap3A_477], %swap3A_480 {strides = array<i32>} : memref<10x5x512xf32, #tpu.memory_space<vmem>>, vector<1x5x512xf32>,
    return
  }
}

</mosaic_0001>

<sc_bundles>
// kernel: gather_offload_async_start.1
scs
__scs_entry_jumppad:
0x0: {  	(pc) =	sbr.rel $0x88, $3  }
0x1: {  	(tag) =	ssettag $0x0;
	lr =	simm.s32 $0x1  }
0x2: {  	[smem:$0x3F9F] =	sst lr;
	_ =	strace $0xD0000000  }
0x3: {  	_ = 	snop  }
0x4: {  	_ = 	snop  }
0x5: {  	_ = 	snop  }
0x6: {  	_ = 	snop  }
0x7: {  	_ = 	snop  }
__scs_overlays_trampoline_lowered:
0x8: {  	[smem:$0x3FAE] =	sst s0  }
0x9: {  	[smem:$0x3FAF] =	sst s1  }
0xa: {  	[smem:$0x3FB0] =	sst s2  }
0xb: {  	[smem:$0x3FB1] =	sst s3  }
0xc: {  	[smem:$0x3FB2] =	sst s4  }
0xd: {  	[smem:$0x3FB3] =	sst s5  }
0xe: {  	[smem:$0x3FB4] =	sst s6  }
0xf: {  	[smem:$0x3FB5] =	sst s7  }
0x10: {  	[smem:$0x3FB6] =	sst s8  }
0x11: {  	[smem:$0x3FB7] =	sst s9;
	s0 =	simm.s32 @!p0 $0x0  }
0x12: {  	s1 =	sld [smem:$0x3F9D];
	s0 =	simm.s32 @p0 $0x1  }
0x13: {  	[smem:$0x3FB8] =	sst s0;
	s0 =	simm.s32 @!p1 $0x0  }
0x14: {  	s2 =	sld [smem:$0x3F9C];
	s0 =	simm.s32 @p1 $0x1  }
0x15: {  	[smem:$0x3FB9] =	sst s0;
	s0 =	simm.s32 @!p2 $0x0  }
0x16: {  	s3 =	sld [smem:$0x3FDB];
	s0 =	simm.s32 @p2 $0x1  }
0x17: {  	s4 =	simm.s32 $0x1BF5;
	[smem:$0x3FBB] =	sst s0  }
0x18: {  	s0 =	sld [smem:$0x3F9E];
	_ =	swait.ge [sflag:s4], $0x0  }
0x19: {  	s7 =	sld [smem:$0x3F9F]  }
0x1a: {  	s8 =	sadd.s32 $0xFFFFE003, lr  }
0x1b: {  	s9 =	sadd.s32 $0xFFFFFEF7, lr;
	s5 =	simm.s32 $0xFFFFFFFF;
	p2 =	slt.u32 s8, $0xFFFFF086  }
0x1c: {  	p1 =	slt.u32 s9, $0xF7A;
	s5 =	simm.s32 @!p2 $0x0  }
0x1d: {  	s5 =	simm.s32 @p1 $0x1;
	p0 =	seq.s32 s7, s2  }
0x1e: {  	s7 =	smul.u32 @!p0 $0xF7A, s2;
	p2 =	seq.s32 @!p0 s5, $0x0  }
0x1f: {  	s9 =	smul.u32 $0xF7A, s1;
	s8 =	simm.s32 @!p0 $0x1BF5;
	p2 =	por !p2, p0  }
0x20: {  	[sflag:s8] =	ssyncset.s32 @!p0 $0xFFFFF086;
	s6 =	sadd.s32 @!p0 s3, s7;
	s7 =	simm.s32 @!p0 $0x108  }
0x21: {  	s3 =	sadd.s32 s3, s9;
	s6 =	sadd.s32 @!p0 $0x88, s6;
	s7 =	simm.s32 @p2 $0x1082  }
0x22: {  	[simem:s7], [sflag:s8] =	dma.local @!p0 [hbm:s6], $0xF7A  }
0x23: {  	s9 =	sor.u32 $0xD0000000, s2;
	s6 =	simm.s32 $0x108;
	_ =	swait.ge @!p0 [sflag:s8], $0x0  }
0x24: {  	s3 =	sadd.s32 $0x88, s3;
	s6 =	simm.s32 @!p1 $0x1082;
	[sflag:s4] =	ssyncset.s32 $0xFFFFF086  }
0x25: {  	[simem:s6], [sflag:s4] =	dma.local [hbm:s3], $0xF7A  }
0x26: {  	[smem:$0x3F9F] =	sst s1;
	(tag) =	ssettag s2;
	_ =	strace s9  }
0x27: {  	s1 =	sld [smem:$0x3FAF]  }
0x28: {  	s2 =	sld [smem:$0x3FB0]  }
0x29: {  	s4 =	sld [smem:$0x3FB2]  }
0x2a: {  	p0 =	seq.s32 s5, $0x0;
	s5 =	sld [smem:$0x3FB3]  }
0x2b: {  	s6 =	sld [smem:$0x3FB4]  }
0x2c: {  	s7 =	sld [smem:$0x3FB5]  }
0x2d: {  	s3 =	simm.s32 $0x108;
	s8 =	sld [smem:$0x3FB6]  }
0x2e: {  	s3 =	simm.s32 @!p0 $0x1082;
	s9 =	sld [smem:$0x3FB7]  }
0x2f: {  	lr =	sadd.s32 s0, s3;
	s0 =	sld [smem:$0x3FAE]  }
0x30: {  	s3 =	sld [smem:$0x3FB1]  }
0x31: {  	[smem:$0x3FBA] =	sst s10  }
0x32: {  	s10 =	sld [smem:$0x3FB8];
	_ =	sdelay $0x3  }
0x33: {  	p0 =	seq.s32 s10, $0x1;
	s10 =	sld [smem:$0x3FBA];
	_ =	sdelay $0x3  }
0x34: {  	[smem:$0x3FBA] =	sst s10  }
0x35: {  	s10 =	sld [smem:$0x3FB9];
	_ =	sdelay $0x3  }
0x36: {  	p1 =	seq.s32 s10, $0x1;
	s10 =	sld [smem:$0x3FBA];
	_ =	sdelay $0x3  }
0x37: {  	[smem:$0x3FBA] =	sst s10  }
0x38: {  	s10 =	sld [smem:$0x3FBB]  }
0x39: {  	_ = 	snop;
	(pc) =	sbr.ind lr, $3  }
0x3a: {  	_ = 	snop  }
0x3b: {  	_ = 	snop  }
0x3c: {  	p2 =	seq.s32 s10, $0x1;
	s10 =	sld [smem:$0x3FBA]  }
0x3d: {  	_ =	shalt  }
0x3e: {  	_ =	shalt  }
0x3f: {  	_ =	shalt  }
0x40: {  	_ =	shalt  }
0x41: {  	_ =	shalt  }
0x42: {  	_ =	shalt  }
0x43: {  	_ =	shalt  }
0x44: {  	_ =	shalt  }
0x45: {  	_ =	shalt  }
0x46: {  	_ =	shalt  }
0x47: {  	_ =	shalt  }
0x48: {  	_ =	shalt  }
0x49: {  	_ =	shalt  }
0x4a: {  	_ =	shalt  }
0x4b: {  	_ =	shalt  }
0x4c: {  	_ =	shalt  }
0x4d: {  	_ =	shalt  }
0x4e: {  	_ =	shalt  }
0x4f: {  	_ =	shalt  }
0x50: {  	_ =	shalt  }
0x51: {  	_ =	shalt  }
0x52: {  	_ =	shalt  }
0x53: {  	_ =	shalt  }
0x54: {  	_ =	shalt  }
0x55: {  	_ =	shalt  }
0x56: {  	_ =	shalt  }
0x57: {  	_ =	shalt  }
0x58: {  	_ =	shalt  }
0x59: {  	_ =	shalt  }
0x5a: {  	_ =	shalt  }
0x5b: {  	_ =	shalt  }
0x5c: {  	_ =	shalt  }
0x5d: {  	_ =	shalt  }
0x5e: {  	_ =	shalt  }
0x5f: {  	_ =	shalt  }
0x60: {  	_ =	shalt  }
0x61: {  	_ =	shalt  }
0x62: {  	_ =	shalt  }
0x63: {  	_ =	shalt  }
0x64: {  	_ =	shalt  }
0x65: {  	_ =	shalt  }
0x66: {  	_ =	shalt  }
0x67: {  	_ =	shalt  }
0x68: {  	_ =	shalt  }
0x69: {  	_ =	shalt  }
0x6a: {  	_ =	shalt  }
0x6b: {  	_ =	shalt  }
0x6c: {  	_ =	shalt  }
0x6d: {  	_ =	shalt  }
0x6e: {  	_ =	shalt  }
0x6f: {  	_ =	shalt  }
0x70: {  	_ =	shalt  }
0x71: {  	_ =	shalt  }
0x72: {  	_ =	shalt  }
0x73: {  	_ =	shalt  }
0x74: {  	_ =	shalt  }
0x75: {  	_ =	shalt  }
0x76: {  	_ =	shalt  }
0x77: {  	_ =	shalt  }
0x78: {  	_ =	shalt  }
0x79: {  	_ =	shalt  }
0x7a: {  	_ =	shalt  }
0x7b: {  	_ =	shalt  }
0x7c: {  	_ =	shalt  }
0x7d: {  	_ =	shalt  }
0x7e: {  	_ =	shalt  }
0x7f: {  	_ =	shalt  }
0x80: {  	_ =	shalt  }
0x81: {  	_ =	shalt  }
0x82: {  	_ =	shalt  }
0x83: {  	_ =	shalt  }
0x84: {  	_ =	shalt  }
0x85: {  	_ =	shalt  }
0x86: {  	_ =	shalt  }
0x87: {  	_ =	shalt  }
.Lfunc_end0:
.L_simem_size_0:
called_computation.1_lowered:
.L_overlay_start_0:
0x88: {  	s0 =	sld [smem:$0x3FD9]  }
0x89: {  	s1 =	sld [smem:$0x3FFE];
	_ =	sdelay $0x3  }
0x8a: {  	s0 =	sadd.s32 s1, s0  }
0x8b: {  	[smem:$0x3FC6] =	sst s0  }
0x8c: {  	_ = 	snop  }
0x8d: {  	s0 =	sld [smem:$0x3FC8]  }
0x8e: {  	s16 =	sld [smem:$0x3FD0];
	(tm) =	ssettm $0x1  }
0x8f: {  	s2 =	sld [smem:$0x3FFB];
	_ =	sdelay $0x3  }
0x90: {  	_ =	strace s2  }
0x91: {  	s2 =	sld [smem:$0x3FFC];
	_ =	sdelay $0x3  }
0x92: {  	_ =	strace s2  }
0x93: {  	s2 =	sld [smem:$0x3FFD];
	_ =	sdelay $0x3  }
0x94: {  	_ =	strace s2  }
0x95: {  	_ =	strace $0x8FFFFFFF  }
0x96: {  	s17 =	sld [smem:$0x3FDB];
	_ =	sdelay $0x1  }
0x97: {  	s3 =	simm.s32 $_scs_section_size  }
0x98: {  	s4 =	simm.s32 $_size__tile_overlayer_lowered;
	s5 =	simm.s32 $_tile_overlayer_lowered  }
0x99: {  	s20 =	simm.s32 $0x1BFF;
	s19 =	sshll.u32 s5, $0x1;
	s2 =	sadd.s32 s3, s17  }
0x9a: {  	s6 =	simm.s32 $0x0;
	s18 =	sshll.u32 s4, $0x1;
	s4 =	sadd.s32 s19, s2  }
0x9b: {  	[timem:s6], [sflag:s20] =	dma.local [hbm:s4], s18  }
0x9c: {  	_ =	swait.ge [sflag:s20], s18  }
0x9d: {  	s3 =	ssub.s32 $0x0, s18;
	[sflag:s20] =	ssyncset.done $0x0  }
0x9e: {  	[sflag:s20] =	ssyncadd.s32 s3;
	_ =	sdelay $0x1  }
0x9f: {  	s21 =	simm.s32 $0x1B8B  }
0xa0: {  	_ =	swait.ge [sflag:s21], $0x1  }
0xa1: {  	[sflag:s21] =	ssyncset.done $0x0  }
0xa2: {  	s23 =	simm.s32 $0x1B8E;
	s22 =	sld [smem:$0x3FFE];
	[sflag:s21] =	ssyncadd.s32 $0xFFFFFFFF  }
0xa3: {  	s24 =	simm.s32 $execute0_lowered;
	[smem:$0x3FD2] =	sst s23  }
0xa4: {  	s4 =	sshll.u32 s24, $0x1;
	_ =	strace $0x80000046;
	[dreg:$0x1] =	wrdreg $0xFFFFFFFF  }
0xa5: {  	s25 =	simm.s32 $_size_execute0_lowered;
	s2 =	sadd.s32 s2, s4;
	[dreg:$0x0] =	wrdreg $0x0  }
0xa6: {  	s4 =	sshll.u32 s25, $0x1;
	[dreg:$0x2] =	wrdreg s2  }
0xa7: {  	[dreg:$0x3] =	wrdreg s4  }
0xa8: {  	[dreg:$0x4] =	wrdreg $0xC0  }
0xa9: {  	_ =	task [dreg:s6], $0x5FFFF  }
0xaa: {  	[dreg:$0x1] =	wrdreg $0xFFFFFFFF  }
0xab: {  	[dreg:$0x0] =	wrdreg $0x60  }
0xac: {  	[dreg:$0x2] =	wrdreg s0  }
0xad: {  	[dreg:$0x3] =	wrdreg s16  }
0xae: {  	[dreg:$0x4] =	wrdreg s22  }
0xaf: {  	[dreg:$0x5] =	wrdreg $0xA  }
0xb0: {  	_ =	task.clear_ibuf [dreg:s6], $0x6FFFF;
	_ =	strace $0x90000046  }
0xb1: {  	s26 =	simm.s32 $0xA;
	_ =	strace $0x80000048  }
0xb2: {  	_ =	swait.ge [sflag:s26], $0x1  }
0xb3: {  	[sflag:s26] =	ssyncadd.s32 $0xFFFFFFFF  }
0xb4: {  	_ =	strace $0x90000048  }
0xb5: {  	_ =	sfence  }
0xb6: {  	s28 =	sld [smem:$0x0];
	_ =	sdelay $0x1  }
0xb7: {  	s29 =	srdreg.scid  }
0xb8: {  	s30 =	sshll.u32 s29, $0xD;
	s31 =	sshrl.u32 s29, $0x2  }
0xb9: {  	s1 =	sand.u32 $0x1, s29;
	s2 =	sand.u32 $0x4000, s30;
	s0 =	sadd.s32 s31, s28  }
0xba: {  	s1 =	sor.u32 s2, s1;
	s0 =	sshll.u32 s0, $0x11  }
0xbb: {  	s0 =	sor.u32 s0, s1  }
0xbc: {  	s0 =	sadd.s32 $0x8F2B, s0  }
0xbd: {  	[sflag:s0] =	ssyncadd.remote.s32 $0x1  }
0xbe: {  	_ =	sfence.sel $0xFFFF  }
0xbf: {  	[dreg:$0x0] =	wrdreg $0xFFFFFFFF;
	(pc) =	sbr.abs _section_cstart, $3  }
0xc0: {  	[dreg:$0x1] =	wrdreg $0xFFFFFFFF  }
0xc1: {  	_ =	task.clear_ibuf [dreg:s6], $0x2FFFF;
	_ =	strace $0x9FFFFFFF  }
0xc2: {  	(tm) =	ssettm $0x7FFFFFFF  }
0xc3: {  	_ =	shalt  }
tec
execute0_lowered:
.L_overlay_start_1:
0x0: {  	(tag) =	ssettag $0x1  }
0x1: {  	s2 =	rddreg [dreg:$0x0]  }
0x2: {  	s3 =	rddreg [dreg:$0x1]  }
0x3: {  	s4 =	rddreg [dreg:$0x2];
	s1 =	stileid.u32  }
0x4: {  	s0 =	rddreg [dreg:$0x3];
	_ =	strace $0x80000047;
	s6 =	simm.s32 $0x1  }
0x5: {  	s8 =	simm.s32 $0x2;
	s30 =	simm.s32 $0x3;
	s5 =	sshll.u32 s1, $0x4  }
0x6: {  	s12 =	simm.s32 $0x0;
	s9 =	simm.s32 $0x0;
	s7 =	ssub.s32 $0x1380, s5  }
0x7: {  	s10 =	simm.s32 $0x0;
	[sflag:s6] =	ssyncpa.u1 $0x0;
	s6 =	sshrl.u32 s7, $0x8  }
0x8: {  	[sflag:s8] =	ssyncpa.u1 $0x0;
	s11 =	smov.u32 s5;
	s31 =	sshll.u32 s6, $0x4  }
0x9: {  	[sflag:s30] =	ssyncpa.u1 $0x0;
	s7 =	sadd.s32 $0x2, s6;
	s8 =	sadd.s32 $0x30, s31  }
.LBB2_1:
0xa: {  	p0 =	sgt.u32 s10, s6  }
0xb: {  	s13 =	sxor.u32 @!p0 $0xFFFFFFFF, s9;
	s14 =	sshrl.u32 @!p0 s11, $0x3  }
0xc: {  	s15 =	sand.u32 @!p0 $0x7, s11;
	s13 =	sand.u32 @!p0 $0x10, s13;
	s14 =	sadd.s32 @!p0 s3, s14  }
0xd: {  	[tilespmem:s13], [sflag:$0x2] =	stream.linear.gather @!p0 [hbm4b:s14+s15], $0x10, $0x38;
	[tilespmem:$0x40] =	vst v63  }
0xe: {  	p0 =	seq.s32 s9, $0x0  }
0xf: {  	p1 =	sge.u32 @!p0 s10, s7  }
0x10: {  	p0 =	por p1, p0  }
0x11: {  	s13 =	simm.s32 @!p0 $0x2  }
0x12: {  	_ =	swait.ge @!p0 [sflag:s13], $0x10  }
0x13: {  	[sflag:s13] =	ssyncset.done @!p0 $0x0  }
0x14: {  	[sflag:s13] =	ssyncadd.s32 @!p0 $0xFFFFFFF0;
	s13 =	sand.u32 @!p0 $0x10, s9  }
0x15: {  	(ifvalue) =	ssetifvalue @!p0 $0x7FFFFFFF;
	v0 =	vld.msk @!p0 [tilespmem:s13+$0x0 ss:$0x1], $0xffff;
	_ =	sdelay $0x4  }
0x16: {  	vm0 =	vgt.s32 @!p0 v0, $0x0  }
0x17: {  	v0 =	vnsel @!p0 vm0, $0x0, v0  }
0x18: {  	v0 =	vmin.u32 @!p0 v0, $0x1387;
	_ =	sdelay $0x3  }
0x19: {  	s14 =	simm.s32 @!p0 $0x0;
	s13 =	sor.u32 @!p0 $0x20, s13;
	(ifvalue) =	ssetifvalue @!p0 $0x7FFFFFFF;
	vm0 =	vmmov @!p0 $0xffff  }
0x1a: {  	[tilespmem:s13], [sflag:$0x1] =	stream.indirect_vreg.gather @!p0 [hbm4b:s2+s14], $0x1, v0, vm0, $0x4038;
	[tilespmem:$0x40] =	vst v63  }
0x1b: {  	s14 =	simm.s32 @!p0 $0x1  }
0x1c: {  	_ =	swait.ge @!p0 [sflag:s14], $0x10  }
0x1d: {  	s15 =	sshrl.u32 @!p0 s12, $0x3;
	[sflag:s14] =	ssyncset.done @!p0 $0x0  }
0x1e: {  	s12 =	sand.u32 @!p0 $0x7, s12;
	[sflag:s14] =	ssyncadd.s32 @!p0 $0xFFFFFFF0;
	s14 =	sadd.s32 @!p0 s4, s15  }
0x1f: {  	[hbm4b:s14+s12] =	stream.linear.scatter @!p0 [tilespmem:s13], [sflag:$0x3], $0x10, $0x38;
	[tilespmem:$0x40] =	vst v63  }
0x20: {  	s14 =	sadd.s32 $0x100, s11  }
0x21: {  	s9 =	sadd.s32 $0x10, s9;
	p1 =	sgt.s32 s14, $0x1387  }
0x22: {  	s14 =	smov.u32 @p1 s5;
	p1 =	sne.s32 s8, s9  }
.Ltmp0:
0x23: {  	p0 =	slt.u32 s10, $0x2;
	(pc) =	sbr.rel @p1 .LBB2_1-.Ltmp0, $4  }
0x24: {  	s13 =	simm.s32 @!p0 $0x3  }
0x25: {  	_ =	swait.ge @!p0 [sflag:s13], $0x10  }
0x26: {  	s12 =	smov.u32 s11;
	[sflag:s13] =	ssyncset.done @!p0 $0x0  }
0x27: {  	s10 =	sadd.s32 $0x1, s10;
	s11 =	smov.u32 s14;
	[sflag:s13] =	ssyncadd.s32 @!p0 $0xFFFFFFF0  }
0x28: {  	_ =	sfence.sel $0x180000  }
0x29: {  	s2 =	simm.s32 $0x2;
	[bflag:$0x0] =	sbarrier.arrive $0xFFFF  }
0x2a: {  	s30 =	simm.s32 $0x3;
	[sflag:s2] =	ssyncpa.u1 $0x1  }
0x2b: {  	s31 =	simm.s32 $0x1;
	[sflag:s30] =	ssyncpa.u1 $0x1  }
0x2c: {  	[sflag:s31] =	ssyncpa.u1 $0x1  }
0x2d: {  	p0 =	sne.s32 s1, $0x0;
	_ =	strace $0x90000047  }
0x2e: {  	s0 =	sadd.s32 @!p0 $0x100000, s0;
	[bflag:$0x2] =	sbarrier.arrive $0xFFFF  }
0x2f: {  	[sflag:s0] =	ssyncadd.tile.s32 @!p0 $0x1;
	_ =	shalt  }
.Lfunc_end2:
_tile_overlayer_lowered:
.L_overlay_start_2:
0x30: {  	(tag) =	ssettag $0x2  }
0x31: {  	s0 =	rddreg [dreg:$0x0];
	s2 =	stileid.u32  }
0x32: {  	s1 =	rddreg [dreg:$0x1];
	p0 =	sne.s32 s2, $0x0  }
0x33: {  	s3 =	rddreg [dreg:$0x2];
	[bflag:$0x3] =	sbarrier.arrive $0xFFFF;
	s2 =	simm.s32 @!p0 $0x1C01  }
0x34: {  	[timem:s3], [sflag:s2] =	dma.local @!p0 [hbm:s0], s1  }
0x35: {  	s0 =	simm.s32 @!p0 $0x1  }
0x36: {  	_ =	swait.ge @!p0 [sflag:s0], s1  }
0x37: {  	s1 =	ssub.s32 @!p0 $0x0, s1;
	[sflag:s0] =	ssyncset.done @!p0 $0x0  }
0x38: {  	[sflag:s0] =	ssyncadd.s32 @!p0 s1  }
0x39: {  	[bflag:$0x3] =	sbarrier.arrive $0xFFFF  }
0x3a: {  	_ =	shalt  }

// kernel: gather_offload_async_start
scs
__scs_entry_jumppad:
0x0: {  	(pc) =	sbr.rel $0x88, $3  }
0x1: {  	(tag) =	ssettag $0x0;
	lr =	simm.s32 $0x1  }
0x2: {  	[smem:$0x3F9F] =	sst lr;
	_ =	strace $0xD0000000  }
0x3: {  	_ = 	snop  }
0x4: {  	_ = 	snop  }
0x5: {  	_ = 	snop  }
0x6: {  	_ = 	snop  }
0x7: {  	_ = 	snop  }
__scs_overlays_trampoline_lowered:
0x8: {  	[smem:$0x3FAE] =	sst s0  }
0x9: {  	[smem:$0x3FAF] =	sst s1  }
0xa: {  	[smem:$0x3FB0] =	sst s2  }
0xb: {  	[smem:$0x3FB1] =	sst s3  }
0xc: {  	[smem:$0x3FB2] =	sst s4  }
0xd: {  	[smem:$0x3FB3] =	sst s5  }
0xe: {  	[smem:$0x3FB4] =	sst s6  }
0xf: {  	[smem:$0x3FB5] =	sst s7  }
0x10: {  	[smem:$0x3FB6] =	sst s8  }
0x11: {  	[smem:$0x3FB7] =	sst s9;
	s0 =	simm.s32 @!p0 $0x0  }
0x12: {  	s1 =	sld [smem:$0x3F9D];
	s0 =	simm.s32 @p0 $0x1  }
0x13: {  	[smem:$0x3FB8] =	sst s0;
	s0 =	simm.s32 @!p1 $0x0  }
0x14: {  	s2 =	sld [smem:$0x3F9C];
	s0 =	simm.s32 @p1 $0x1  }
0x15: {  	[smem:$0x3FB9] =	sst s0;
	s0 =	simm.s32 @!p2 $0x0  }
0x16: {  	s3 =	sld [smem:$0x3FDB];
	s0 =	simm.s32 @p2 $0x1  }
0x17: {  	s4 =	simm.s32 $0x1BF5;
	[smem:$0x3FBB] =	sst s0  }
0x18: {  	s0 =	sld [smem:$0x3F9E];
	_ =	swait.ge [sflag:s4], $0x0  }
0x19: {  	s7 =	sld [smem:$0x3F9F]  }
0x1a: {  	s8 =	sadd.s32 $0xFFFFE003, lr  }
0x1b: {  	s9 =	sadd.s32 $0xFFFFFEF7, lr;
	s5 =	simm.s32 $0xFFFFFFFF;
	p2 =	slt.u32 s8, $0xFFFFF086  }
0x1c: {  	p1 =	slt.u32 s9, $0xF7A;
	s5 =	simm.s32 @!p2 $0x0  }
0x1d: {  	s5 =	simm.s32 @p1 $0x1;
	p0 =	seq.s32 s7, s2  }
0x1e: {  	s7 =	smul.u32 @!p0 $0xF7A, s2;
	p2 =	seq.s32 @!p0 s5, $0x0  }
0x1f: {  	s9 =	smul.u32 $0xF7A, s1;
	s8 =	simm.s32 @!p0 $0x1BF5;
	p2 =	por !p2, p0  }
0x20: {  	[sflag:s8] =	ssyncset.s32 @!p0 $0xFFFFF086;
	s6 =	sadd.s32 @!p0 s3, s7;
	s7 =	simm.s32 @!p0 $0x108  }
0x21: {  	s3 =	sadd.s32 s3, s9;
	s6 =	sadd.s32 @!p0 $0x88, s6;
	s7 =	simm.s32 @p2 $0x1082  }
0x22: {  	[simem:s7], [sflag:s8] =	dma.local @!p0 [hbm:s6], $0xF7A  }
0x23: {  	s9 =	sor.u32 $0xD0000000, s2;
	s6 =	simm.s32 $0x108;
	_ =	swait.ge @!p0 [sflag:s8], $0x0  }
0x24: {  	s3 =	sadd.s32 $0x88, s3;
	s6 =	simm.s32 @!p1 $0x1082;
	[sflag:s4] =	ssyncset.s32 $0xFFFFF086  }
0x25: {  	[simem:s6], [sflag:s4] =	dma.local [hbm:s3], $0xF7A  }
0x26: {  	[smem:$0x3F9F] =	sst s1;
	(tag) =	ssettag s2;
	_ =	strace s9  }
0x27: {  	s1 =	sld [smem:$0x3FAF]  }
0x28: {  	s2 =	sld [smem:$0x3FB0]  }
0x29: {  	s4 =	sld [smem:$0x3FB2]  }
0x2a: {  	p0 =	seq.s32 s5, $0x0;
	s5 =	sld [smem:$0x3FB3]  }
0x2b: {  	s6 =	sld [smem:$0x3FB4]  }
0x2c: {  	s7 =	sld [smem:$0x3FB5]  }
0x2d: {  	s3 =	simm.s32 $0x108;
	s8 =	sld [smem:$0x3FB6]  }
0x2e: {  	s3 =	simm.s32 @!p0 $0x1082;
	s9 =	sld [smem:$0x3FB7]  }
0x2f: {  	lr =	sadd.s32 s0, s3;
	s0 =	sld [smem:$0x3FAE]  }
0x30: {  	s3 =	sld [smem:$0x3FB1]  }
0x31: {  	[smem:$0x3FBA] =	sst s10  }
0x32: {  	s10 =	sld [smem:$0x3FB8];
	_ =	sdelay $0x3  }
0x33: {  	p0 =	seq.s32 s10, $0x1;
	s10 =	sld [smem:$0x3FBA];
	_ =	sdelay $0x3  }
0x34: {  	[smem:$0x3FBA] =	sst s10  }
0x35: {  	s10 =	sld [smem:$0x3FB9];
	_ =	sdelay $0x3  }
0x36: {  	p1 =	seq.s32 s10, $0x1;
	s10 =	sld [smem:$0x3FBA];
	_ =	sdelay $0x3  }
0x37: {  	[smem:$0x3FBA] =	sst s10  }
0x38: {  	s10 =	sld [smem:$0x3FBB]  }
0x39: {  	_ = 	snop;
	(pc) =	sbr.ind lr, $3  }
0x3a: {  	_ = 	snop  }
0x3b: {  	_ = 	snop  }
0x3c: {  	p2 =	seq.s32 s10, $0x1;
	s10 =	sld [smem:$0x3FBA]  }
0x3d: {  	_ =	shalt  }
0x3e: {  	_ =	shalt  }
0x3f: {  	_ =	shalt  }
0x40: {  	_ =	shalt  }
0x41: {  	_ =	shalt  }
0x42: {  	_ =	shalt  }
0x43: {  	_ =	shalt  }
0x44: {  	_ =	shalt  }
0x45: {  	_ =	shalt  }
0x46: {  	_ =	shalt  }
0x47: {  	_ =	shalt  }
0x48: {  	_ =	shalt  }
0x49: {  	_ =	shalt  }
0x4a: {  	_ =	shalt  }
0x4b: {  	_ =	shalt  }
0x4c: {  	_ =	shalt  }
0x4d: {  	_ =	shalt  }
0x4e: {  	_ =	shalt  }
0x4f: {  	_ =	shalt  }
0x50: {  	_ =	shalt  }
0x51: {  	_ =	shalt  }
0x52: {  	_ =	shalt  }
0x53: {  	_ =	shalt  }
0x54: {  	_ =	shalt  }
0x55: {  	_ =	shalt  }
0x56: {  	_ =	shalt  }
0x57: {  	_ =	shalt  }
0x58: {  	_ =	shalt  }
0x59: {  	_ =	shalt  }
0x5a: {  	_ =	shalt  }
0x5b: {  	_ =	shalt  }
0x5c: {  	_ =	shalt  }
0x5d: {  	_ =	shalt  }
0x5e: {  	_ =	shalt  }
0x5f: {  	_ =	shalt  }
0x60: {  	_ =	shalt  }
0x61: {  	_ =	shalt  }
0x62: {  	_ =	shalt  }
0x63: {  	_ =	shalt  }
0x64: {  	_ =	shalt  }
0x65: {  	_ =	shalt  }
0x66: {  	_ =	shalt  }
0x67: {  	_ =	shalt  }
0x68: {  	_ =	shalt  }
0x69: {  	_ =	shalt  }
0x6a: {  	_ =	shalt  }
0x6b: {  	_ =	shalt  }
0x6c: {  	_ =	shalt  }
0x6d: {  	_ =	shalt  }
0x6e: {  	_ =	shalt  }
0x6f: {  	_ =	shalt  }
0x70: {  	_ =	shalt  }
0x71: {  	_ =	shalt  }
0x72: {  	_ =	shalt  }
0x73: {  	_ =	shalt  }
0x74: {  	_ =	shalt  }
0x75: {  	_ =	shalt  }
0x76: {  	_ =	shalt  }
0x77: {  	_ =	shalt  }
0x78: {  	_ =	shalt  }
0x79: {  	_ =	shalt  }
0x7a: {  	_ =	shalt  }
0x7b: {  	_ =	shalt  }
0x7c: {  	_ =	shalt  }
0x7d: {  	_ =	shalt  }
0x7e: {  	_ =	shalt  }
0x7f: {  	_ =	shalt  }
0x80: {  	_ =	shalt  }
0x81: {  	_ =	shalt  }
0x82: {  	_ =	shalt  }
0x83: {  	_ =	shalt  }
0x84: {  	_ =	shalt  }
0x85: {  	_ =	shalt  }
0x86: {  	_ =	shalt  }
0x87: {  	_ =	shalt  }
.Lfunc_end0:
.L_simem_size_0:
called_computation_lowered:
.L_overlay_start_0:
0x88: {  	s0 =	sld [smem:$0x3FD9]  }
0x89: {  	s1 =	sld [smem:$0x3FFE];
	_ =	sdelay $0x3  }
0x8a: {  	s0 =	sadd.s32 s1, s0  }
0x8b: {  	[smem:$0x3FC6] =	sst s0  }
0x8c: {  	_ = 	snop  }
0x8d: {  	s0 =	sld [smem:$0x3FD0];
	(tm) =	ssettm $0x1  }
0x8e: {  	s16 =	sld [smem:$0x3FFB];
	_ =	sdelay $0x3  }
0x8f: {  	_ =	strace s16  }
0x90: {  	s1 =	sld [smem:$0x3FFC];
	_ =	sdelay $0x3  }
0x91: {  	_ =	strace s1  }
0x92: {  	s1 =	sld [smem:$0x3FFD];
	_ =	sdelay $0x3  }
0x93: {  	_ =	strace s1  }
0x94: {  	_ =	strace $0x8FFFFFFF  }
0x95: {  	s17 =	sld [smem:$0x3FDB];
	_ =	sdelay $0x1  }
0x96: {  	s2 =	simm.s32 $_scs_section_size  }
0x97: {  	s3 =	simm.s32 $_size__tile_overlayer_lowered;
	s4 =	simm.s32 $_tile_overlayer_lowered  }
0x98: {  	s20 =	simm.s32 $0x1BFF;
	s19 =	sshll.u32 s4, $0x1;
	s1 =	sadd.s32 s2, s17  }
0x99: {  	s5 =	simm.s32 $0x0;
	s18 =	sshll.u32 s3, $0x1;
	s3 =	sadd.s32 s19, s1  }
0x9a: {  	[timem:s5], [sflag:s20] =	dma.local [hbm:s3], s18  }
0x9b: {  	_ =	swait.ge [sflag:s20], s18  }
0x9c: {  	s2 =	ssub.s32 $0x0, s18;
	[sflag:s20] =	ssyncset.done $0x0  }
0x9d: {  	[sflag:s20] =	ssyncadd.s32 s2;
	_ =	sdelay $0x1  }
0x9e: {  	s21 =	simm.s32 $0x1B8B  }
0x9f: {  	_ =	swait.ge [sflag:s21], $0x1  }
0xa0: {  	[sflag:s21] =	ssyncset.done $0x0  }
0xa1: {  	s23 =	simm.s32 $0x1B8E;
	s22 =	sld [smem:$0x3FFE];
	[sflag:s21] =	ssyncadd.s32 $0xFFFFFFFF  }
0xa2: {  	s24 =	simm.s32 $execute0_lowered;
	[smem:$0x3FD2] =	sst s23  }
0xa3: {  	s3 =	sshll.u32 s24, $0x1;
	_ =	strace $0x80000049;
	[dreg:$0x1] =	wrdreg $0xFFFFFFFF  }
0xa4: {  	s25 =	simm.s32 $_size_execute0_lowered;
	s1 =	sadd.s32 s1, s3;
	[dreg:$0x0] =	wrdreg $0x0  }
0xa5: {  	s3 =	sshll.u32 s25, $0x1;
	[dreg:$0x2] =	wrdreg s1  }
0xa6: {  	[dreg:$0x3] =	wrdreg s3  }
0xa7: {  	[dreg:$0x4] =	wrdreg $0xC0  }
0xa8: {  	_ =	task [dreg:s5], $0x5FFFF  }
0xa9: {  	[dreg:$0x1] =	wrdreg $0xFFFFFFFF  }
0xaa: {  	[dreg:$0x0] =	wrdreg $0x60  }
0xab: {  	[dreg:$0x2] =	wrdreg s22  }
0xac: {  	[dreg:$0x3] =	wrdreg s0  }
0xad: {  	[dreg:$0x4] =	wrdreg $0x9  }
0xae: {  	_ =	task.clear_ibuf [dreg:s5], $0x5FFFF;
	_ =	strace $0x90000049  }
0xaf: {  	s26 =	simm.s32 $0x9;
	_ =	strace $0x8000004B  }
0xb0: {  	_ =	swait.ge [sflag:s26], $0x1  }
0xb1: {  	[sflag:s26] =	ssyncadd.s32 $0xFFFFFFFF  }
0xb2: {  	_ =	strace $0x9000004B  }
0xb3: {  	_ =	sfence  }
0xb4: {  	s28 =	sld [smem:$0x0];
	_ =	sdelay $0x1  }
0xb5: {  	s29 =	srdreg.scid  }
0xb6: {  	s30 =	sshll.u32 s29, $0xD;
	s31 =	sshrl.u32 s29, $0x2  }
0xb7: {  	s2 =	sand.u32 $0x4000, s30;
	s1 =	sand.u32 $0x1, s29;
	s0 =	sadd.s32 s31, s28  }
0xb8: {  	s1 =	sor.u32 s2, s1;
	s0 =	sshll.u32 s0, $0x11  }
0xb9: {  	s0 =	sor.u32 s0, s1  }
0xba: {  	s0 =	sadd.s32 $0x8F2B, s0  }
0xbb: {  	[sflag:s0] =	ssyncadd.remote.s32 $0x1  }
0xbc: {  	_ =	sfence.sel $0xFFFF  }
0xbd: {  	[dreg:$0x0] =	wrdreg $0xFFFFFFFF;
	(pc) =	sbr.abs _section_cstart, $3  }
0xbe: {  	[dreg:$0x1] =	wrdreg $0xFFFFFFFF  }
0xbf: {  	_ =	task.clear_ibuf [dreg:s5], $0x2FFFF;
	_ =	strace $0x9FFFFFFF  }
0xc0: {  	(tm) =	ssettm $0x7FFFFFFF  }
0xc1: {  	_ =	shalt  }
tec
execute0_lowered:
.L_overlay_start_1:
0x0: {  	(tag) =	ssettag $0x1  }
0x1: {  	s0 =	stileid.u32  }
0x2: {  	s1 =	smin.u32 s0, $0x9  }
0x3: {  	s1 =	sadd.s32 s0, s1  }
0x4: {  	s2 =	simm.s32 $0x190;
	p0 =	slt.u32 s0, $0x9;
	s1 =	smul.u32 $0xC8, s1  }
0x5: {  	s2 =	simm.s32 @!p0 $0xC8  }
0x6: {  	s2 =	sadd.s32 s2, s1  }
0x7: {  	s3 =	smin.u32 s2, $0x1388  }
0x8: {  	s7 =	ssub.s32 s3, s1  }
0x9: {  	p0 =	sgt.s32 s7, $0x0  }
0xa: {  	s7 =	simm.s32 @!p0 $0x0  }
0xb: {  	s31 =	sand.u32 $0xFFF8, s7  }
0xc: {  	s2 =	sshrl.u32 s31, $0x3  }
0xd: {  	s9 =	rddreg [dreg:$0x0];
	s2 =	smul.u32 $0x147B, s2  }
0xe: {  	s4 =	rddreg [dreg:$0x1];
	s6 =	simm.s32 $0x1  }
0xf: {  	s11 =	simm.s32 $0x3;
	s13 =	simm.s32 $0x0;
	s8 =	sshrl.u32 s2, $0x11  }
0x10: {  	s12 =	simm.s32 $0x0;
	s5 =	sadd.s32 $0x400, s9;
	s10 =	smul.u32 $0xC8, s8  }
.Ltmp0:
0x11: {  	s9 =	sadd.s32 $0x13E00, s9;
	s2 =	rddreg [dreg:$0x2];
	(pc) =	sbr.rel .LBB2_1-.Ltmp0, $4  }
0x12: {  	_ =	strace $0x8000004A;
	p0 =	sne.s32 s7, s10;
	s10 =	simm.s32 $0x1  }
0x13: {  	[sflag:s6] =	ssyncpa.u1 $0x0;
	s7 =	simm.s32 $0x2;
	s10 =	simm.s32 @!p0 $0x0  }
0x14: {  	[sflag:s7] =	ssyncpa.u1 $0x0;
	p0 =	por $0x0, $0x0;
	s8 =	sadd.s32 s8, s10  }
0x15: {  	vm0 =	vmmov $0xff;
	vm1 =	vcmask $0x3F20;
	[sflag:s11] =	ssyncpa.u1 $0x0;
	s11 =	smov.u32 s1;
	s10 =	sadd.s32 $0x1, s8  }
.LBB2_6:
0x16: {  	[hbm:s17] =	stream.linear.scatter [tilespmem:s14], [sflag:$0x3], $0x400, $0x38;
	[tilespmem:$0xC990] =	vst v63  }
.LBB2_7:
0x17: {  	s13 =	sadd.s32 $0xC8, s11  }
0x18: {  	s15 =	smov.u32 s1;
	p2 =	slt.s32 s13, s3  }
0x19: {  	s15 =	smov.u32 @p2 s13;
	p2 =	sne.s32 s12, s10  }
.Ltmp1:
0x1a: {  	p1 =	slt.u32 s12, $0x2;
	(pc) =	sbr.rel @!p2 .LBB2_8-.Ltmp1, $4  }
0x1b: {  	s14 =	simm.s32 @!p1 $0x3  }
0x1c: {  	s16 =	sadd.s32 $0x1, s12;
	_ =	swait.ge @!p1 [sflag:s14], $0x6400  }
0x1d: {  	p0 =	por !p0, !p0;
	s13 =	smov.u32 s11;
	[sflag:s14] =	ssyncset.done @!p1 $0x0  }
0x1e: {  	s12 =	smov.u32 s16;
	s11 =	smov.u32 s15;
	[sflag:s14] =	ssyncadd.s32 @!p1 $0xFFFF9C00  }
.LBB2_1:
0x1f: {  	p1 =	sge.u32 s12, s8  }
0x20: {  	s14 =	sxor.u32 @!p1 $0xFFFFFFFF, s12  }
0x21: {  	s14 =	sand.u32 @!p1 $0x1, s14  }
0x22: {  	s14 =	smul.u32 @!p1 $0x320, s14  }
0x23: {  	s31 =	sadd.s32 $0xFFFFFFFF, s12;
	s15 =	sshrl.u32 @!p1 s11, $0x3  }
0x24: {  	s16 =	sand.u32 @!p1 $0x7, s11;
	s15 =	sadd.s32 @!p1 s4, s15;
	s14 =	sshrl.u32 @!p1 s14, $0x2  }
0x25: {  	[tilespmem:s14], [sflag:$0x2] =	stream.linear.gather @!p1 [hbm4b:s15+s16], $0xC8, $0x38;
	[tilespmem:$0xC990] =	vst v63  }
0x26: {  	p1 =	sge.u32 s31, s8  }
.Ltmp2:
0x27: {  	_ = 	snop;
	(pc) =	sbr.rel @p1 .LBB2_7-.Ltmp2, $1  }
0x28: {  	_ =	sdelay $0x3  }
0x29: {  	s14 =	simm.s32 $0x1  }
0x2a: {  	s14 =	simm.s32 @!p0 $0x0  }
0x2b: {  	s15 =	smul.u32 $0x320, s14  }
0x2c: {  	_ =	swait.ge [sflag:s7], $0xC8  }
0x2d: {  	[sflag:s7] =	ssyncset.done $0x0;
	s16 =	sshrl.u32 s15, $0x2  }
0x2e: {  	[sflag:s7] =	ssyncadd.s32 $0xFFFFFF38;
	s15 =	sadd.s32 $0x0, s16  }
0x2f: {  	v0 =	vld.msk [tilespmem:s15+$0x0 ss:$0x1], $0xffff;
	_ =	sdelay $0x4  }
0x30: {  	vm2 =	vgt.s32 v0, $0x0  }
0x31: {  	v0 =	vnsel vm2, $0x0, v0  }
0x32: {  	v0 =	vmin.u32 v0, $0x1387  }
0x33: {  	v0 =	vshll.u32 v0, $0x4  }
0x34: {  	s14 =	smul.u32 $0x19000, s14  }
0x35: {  	s31 =	sand.u32 $0x1, s12  }
0x36: {  	s17 =	smul.u32 $0x320, s31;
	s14 =	sshrl.u32 s14, $0x2  }
0x37: {  	s19 =	smul.u32 $0x19000, s31;
	s14 =	sor.u32 $0x190, s14  }
0x38: {  	[tilespmem:s14], [sflag:$0x1] =	stream.indirect_vreg.gather [hbm:s5], $0x80, v0, vm0, $0x38;
	[tilespmem:$0xC990] =	vst v63  }
0x39: {  	s18 =	sshrl.u32 s17, $0x2;
	s20 =	sadd.s32 $0x10, s16;
	s15 =	sadd.s32 $0x400, s14  }
0x3a: {  	[tilespmem:s15], [sflag:$0x1] =	stream.indirect_vreg.gather [hbm:s5], $0x80, v0, vm1, $0x38;
	[tilespmem:$0xC990] =	vst v63  }
0x3b: {  	s17 =	sshrl.u32 s19, $0x2;
	s19 =	smov.u32 s14;
	v0 =	vld.msk [tilespmem:s20+$0x0 ss:$0x1], $0xffff;
	s20 =	simm.s32 $0x80  }
.LBB2_3:
0x3c: {  	p1 =	sne.s32 s20, $0x2C0;
	_ =	sdelay $0x4  }
0x3d: {  	vm2 =	vgt.s32 v0, $0x0  }
0x3e: {  	v0 =	vnsel vm2, $0x0, v0  }
0x3f: {  	v0 =	vmin.u32 v0, $0x1387  }
0x40: {  	v0 =	vshll.u32 v0, $0x4;
	_ =	sdelay $0x3  }
.Ltmp3:
0x41: {  	s21 =	sshra.s32 s20, $0x2;
	s19 =	sadd.s32 $0x800, s19;
	(pc) =	sbr.rel @p1 .LBB2_3-.Ltmp3, $4  }
0x42: {  	[tilespmem:s19], [sflag:$0x1] =	stream.indirect_vreg.gather [hbm:s5], $0x80, v0, vm0, $0x38;
	[tilespmem:$0xC990] =	vst v63  }
0x43: {  	s21 =	sadd.s32 s21, s16;
	s22 =	sadd.s32 $0x400, s19  }
0x44: {  	[tilespmem:s22], [sflag:$0x1] =	stream.indirect_vreg.gather [hbm:s5], $0x80, v0, vm1, $0x38;
	[tilespmem:$0xC990] =	vst v63  }
0x45: {  	s20 =	sadd.s32 $0x40, s20;
	v0 =	vld.msk [tilespmem:s21+$0x0 ss:$0x1], $0xffff  }
0x46: {  	_ =	sdelay $0x3  }
0x47: {  	vm2 =	vgt.s32 v0, $0x0  }
0x48: {  	v0 =	vnsel vm2, $0x0, v0  }
0x49: {  	v0 =	vmin.u32 v0, $0x1387  }
0x4a: {  	v0 =	vshll.u32 v0, $0x4;
	_ =	sdelay $0x3  }
0x4b: {  	s16 =	sadd.s32 $0x800, s19  }
0x4c: {  	[tilespmem:s16], [sflag:$0x1] =	stream.indirect_vreg.gather [hbm:s5], $0x80, v0, vm0, $0x38;
	[tilespmem:$0xC990] =	vst v63  }
0x4d: {  	s16 =	sadd.s32 $0x400, s16  }
0x4e: {  	[tilespmem:s16], [sflag:$0x1] =	stream.indirect_vreg.gather [hbm:s5], $0x80, v0, vm1, $0x38;
	[tilespmem:$0xC990] =	vst v63  }
0x4f: {  	v0 =	vld.msk [tilespmem:s18+$0xC0 ss:$0x1], $0xff;
	_ =	sdelay $0x4  }
0x50: {  	vm2 =	vgt.s32 v0, $0x0  }
0x51: {  	v0 =	vnsel vm2, $0x0, v0  }
0x52: {  	v0 =	vmin.u32 v0, $0x1387  }
0x53: {  	v0 =	vshll.u32 v0, $0x4;
	_ =	sdelay $0x3  }
0x54: {  	s31 =	sadd.s32 $0x6190, s17  }
0x55: {  	[tilespmem:s31], [sflag:$0x1] =	stream.indirect_vreg.gather [hbm:s5], $0x80, v0, vm0, $0x38;
	[tilespmem:$0xC990] =	vst v63  }
0x56: {  	s13 =	sshll.u32 s13, $0x4;
	_ =	swait.ge [sflag:s6], $0x6400  }
0x57: {  	s13 =	sadd.s32 s13, s9;
	[sflag:s6] =	ssyncset.done $0x0  }
0x58: {  	s17 =	sadd.s32 $0x0, s13;
	s16 =	simm.s32 $0x80;
	[sflag:s6] =	ssyncadd.s32 $0xFFFF9C00  }
.LBB2_5:
0x59: {  	[hbm:s17] =	stream.linear.scatter [tilespmem:s14], [sflag:$0x3], $0x400, $0x38;
	[tilespmem:$0xC990] =	vst v63  }
0x5a: {  	s17 =	smov.u32 s16;
	s14 =	smov.u32 s15;
	p1 =	sne.s32 s16, $0xC00  }
.Ltmp4:
0x5b: {  	s16 =	sadd.s32 $0x80, s16;
	(pc) =	sbr.rel @p1 .LBB2_5-.Ltmp4, $2  }
0x5c: {  	_ =	sdelay $0x2  }
0x5d: {  	s15 =	sadd.s32 $0x400, s15;
	s17 =	sadd.s32 s17, s13  }
.Ltmp5:
0x5e: {  	_ = 	snop;
	(pc) =	sbr.rel .LBB2_6-.Ltmp5, $1  }
0x5f: {  	_ =	sdelay $0x3  }
.LBB2_8:
0x60: {  	_ =	sfence.sel $0x180000  }
0x61: {  	s1 =	simm.s32 $0x2;
	[bflag:$0x0] =	sbarrier.arrive $0xFFFF  }
0x62: {  	s30 =	simm.s32 $0x3;
	[sflag:s1] =	ssyncpa.u1 $0x1  }
0x63: {  	s31 =	simm.s32 $0x1;
	[sflag:s30] =	ssyncpa.u1 $0x1  }
0x64: {  	[sflag:s31] =	ssyncpa.u1 $0x1  }
0x65: {  	p0 =	sne.s32 s0, $0x0;
	_ =	strace $0x9000004A  }
0x66: {  	s0 =	sadd.s32 @!p0 $0x100000, s2;
	[bflag:$0x2] =	sbarrier.arrive $0xFFFF  }
0x67: {  	[sflag:s0] =	ssyncadd.tile.s32 @!p0 $0x1;
	_ =	shalt  }
.Lfunc_end2:
_tile_overlayer_lowered:
.L_overlay_start_2:
0x68: {  	(tag) =	ssettag $0x2  }
0x69: {  	s0 =	rddreg [dreg:$0x0];
	s2 =	stileid.u32  }
0x6a: {  	s1 =	rddreg [dreg:$0x1];
	p0 =	sne.s32 s2, $0x0  }
0x6b: {  	s3 =	rddreg [dreg:$0x2];
	[bflag:$0x3] =	sbarrier.arrive $0xFFFF;
	s2 =	simm.s32 @!p0 $0x1C01  }
0x6c: {  	[timem:s3], [sflag:s2] =	dma.local @!p0 [hbm:s0], s1  }
0x6d: {  	s0 =	simm.s32 @!p0 $0x1  }
0x6e: {  	_ =	swait.ge @!p0 [sflag:s0], s1  }
0x6f: {  	s1 =	ssub.s32 @!p0 $0x0, s1;
	[sflag:s0] =	ssyncset.done @!p0 $0x0  }
0x70: {  	[sflag:s0] =	ssyncadd.s32 @!p0 s1  }
0x71: {  	[bflag:$0x3] =	sbarrier.arrive $0xFFFF  }
0x72: {  	_ =	shalt  }

</sc_bundles>
